<compile_context>
chip_gen: v7x
topology: tpu7x:2x2x1
jax: 0.10.2.dev20260603
libtpu: 0.0.44.dev20260713+nightly
codegen_flags: <defaults>
</compile_context>

<pallas_src>
import functools

import jax
import jax.numpy as jnp
from jax import lax
from jax.experimental import pallas as pl
from jax.experimental.pallas import tpu as pltpu
from jax.experimental.pallas import tpu_sc as plsc

N_NODES = 10000
N_ACC = 10240
N_EDGES = 320000
NC, NS = 2, 16
CHUNK = 128
CHUNKS_PER_TILE = 80
E_PAD = NC * NS * CHUNKS_PER_TILE * CHUNK
E_ROWS = E_PAD // CHUNK
ROWS_PER_TILE = N_ACC // NS


def _sc_mesh():
    return plsc.VectorSubcoreMesh(core_axis_name="c", subcore_axis_name="s")


_SC_PARAMS = pltpu.CompilerParams(use_tc_tiling_on_sc=False)



def _degree_body(dst_hbm, out_hbm, dst_v, ones_v, deg_sh, sem):
    c = lax.axis_index("c")
    s = lax.axis_index("s")
    w = c * NS + s
    init = jnp.where(c == 0, 1.0, 0.0).astype(jnp.float32)

    for k in range(CHUNK // 16):
        ones_v[pl.ds(16 * k, 16)] = jnp.zeros((16,), jnp.float32) + init

    def zinit(t, _):
        pltpu.sync_copy(ones_v, deg_sh.at[pl.ds(ROWS_PER_TILE * s + CHUNK * t, CHUNK)])
        return 0

    lax.fori_loop(0, ROWS_PER_TILE // CHUNK, zinit, 0)
    for k in range(CHUNK // 16):
        ones_v[pl.ds(16 * k, 16)] = jnp.zeros((16,), jnp.float32) + 1.0
    plsc.subcore_barrier()

    pltpu.sync_copy(dst_hbm.at[pl.ds(w * CHUNKS_PER_TILE, CHUNKS_PER_TILE)], dst_v)

    def step(j, _):
        pltpu.sync_copy(ones_v, deg_sh.at[dst_v.at[j]], add=True)
        return 0

    lax.fori_loop(0, CHUNKS_PER_TILE, step, 0)
    plsc.subcore_barrier()
    pltpu.sync_copy(deg_sh.at[pl.ds(ROWS_PER_TILE * s, ROWS_PER_TILE)],
                    out_hbm.at[c, pl.ds(ROWS_PER_TILE * s, ROWS_PER_TILE)])


def _sc_degree(dst2):
    k = functools.partial(
        pl.kernel,
        out_type=jax.ShapeDtypeStruct((NC, N_ACC), jnp.float32),
        mesh=_sc_mesh(),
        scratch_types=[
            pltpu.VMEM((CHUNKS_PER_TILE, CHUNK), jnp.int32),
            pltpu.VMEM((CHUNK,), jnp.float32),
            pltpu.VMEM_SHARED((N_ACC,), jnp.float32),
            pltpu.SemaphoreType.DMA,
        ],
        compiler_params=_SC_PARAMS,
    )(_degree_body)
    return k(dst2)



ROWS_G_TILE = N_NODES // NS


def _make_agg_body(F, stage_g):
    def body(g_hbm, src_hbm, dst_hbm, out_hbm, *refs):
        if stage_g:
            src_v, dst_v, rows, g_sh, acc_sh, sem = refs
        else:
            src_v, dst_v, rows, acc_sh, sem = refs
            g_sh = None
        c = lax.axis_index("c")
        s = lax.axis_index("s")
        w = c * NS + s

        def zrow(r, _):
            for k in range(F // 16):
                rows[r, pl.ds(16 * k, 16)] = jnp.zeros((16,), jnp.float32)
            return 0

        lax.fori_loop(0, CHUNK, zrow, 0)

        def zinit(t, _):
            pltpu.sync_copy(
                rows, acc_sh.at[pl.ds(ROWS_PER_TILE * s + CHUNK * t, CHUNK)])
            return 0

        lax.fori_loop(0, ROWS_PER_TILE // CHUNK, zinit, 0)
        if stage_g:
            pltpu.sync_copy(g_hbm.at[pl.ds(ROWS_G_TILE * s, ROWS_G_TILE)],
                            g_sh.at[pl.ds(ROWS_G_TILE * s, ROWS_G_TILE)])
        plsc.subcore_barrier()

        pltpu.sync_copy(src_hbm.at[pl.ds(w * CHUNKS_PER_TILE, CHUNKS_PER_TILE)], src_v)
        pltpu.sync_copy(dst_hbm.at[pl.ds(w * CHUNKS_PER_TILE, CHUNKS_PER_TILE)], dst_v)

        g_src = g_sh if stage_g else g_hbm

        def step(j, _):
            pltpu.sync_copy(g_src.at[src_v.at[j]], rows)
            pltpu.sync_copy(rows, acc_sh.at[dst_v.at[j]], add=True)
            return 0

        lax.fori_loop(0, CHUNKS_PER_TILE, step, 0)
        plsc.subcore_barrier()
        pltpu.sync_copy(acc_sh.at[pl.ds(ROWS_PER_TILE * s, ROWS_PER_TILE)],
                        out_hbm.at[c, pl.ds(ROWS_PER_TILE * s, ROWS_PER_TILE)])

    return body


def _sc_aggregate(g, src2, dst2):
    F = g.shape[1]
    stage_g = F <= 64
    k = functools.partial(
        pl.kernel,
        out_type=jax.ShapeDtypeStruct((NC, N_ACC, F), jnp.float32),
        mesh=_sc_mesh(),
        scratch_types=(
            [pltpu.VMEM((CHUNKS_PER_TILE, CHUNK), jnp.int32),
             pltpu.VMEM((CHUNKS_PER_TILE, CHUNK), jnp.int32),
             pltpu.VMEM((CHUNK, F), jnp.float32)]
            + ([pltpu.VMEM_SHARED((N_NODES, F), jnp.float32)] if stage_g else [])
            + [pltpu.VMEM_SHARED((N_ACC, F), jnp.float32),
               pltpu.SemaphoreType.DMA]
        ),
        compiler_params=_SC_PARAMS,
    )(_make_agg_body(F, stage_g))
    return k(g, src2, dst2)



BN = 2000


def _mm_scale_body(x_ref, w_ref, dv_ref, g_ref):
    h = jnp.dot(x_ref[...], w_ref[...], preferred_element_type=jnp.float32)
    g_ref[...] = h * dv_ref[...]


def _mm_scale(x, W, dinv):
    Fin, Fout = W.shape
    grid = (N_NODES // BN,)
    return pl.pallas_call(
        _mm_scale_body,
        grid=grid,
        in_specs=[
            pl.BlockSpec((BN, Fin), lambda i: (i, 0)),
            pl.BlockSpec((Fin, Fout), lambda i: (0, 0)),
            pl.BlockSpec((BN, 1), lambda i: (i, 0)),
        ],
        out_specs=pl.BlockSpec((BN, Fout), lambda i: (i, 0)),
        out_shape=jax.ShapeDtypeStruct((N_NODES, Fout), jnp.float32),
    )(x, W, dinv)


def _fused_layer_body(acc_ref, g_ref, dv_ref, b_ref, w_ref, out_ref):
    dv = dv_ref[...]
    y = (acc_ref[0] + acc_ref[1] + g_ref[...]) * dv + b_ref[...]
    y = jnp.maximum(y, 0.0)
    out_ref[...] = jnp.dot(y, w_ref[...], preferred_element_type=jnp.float32) * dv


def _fused_layer(acc, g, dinv, b, W):
    Fin, Fout = W.shape
    grid = (N_NODES // BN,)
    return pl.pallas_call(
        _fused_layer_body,
        grid=grid,
        in_specs=[
            pl.BlockSpec((NC, BN, Fin), lambda i: (0, i, 0)),
            pl.BlockSpec((BN, Fin), lambda i: (i, 0)),
            pl.BlockSpec((BN, 1), lambda i: (i, 0)),
            pl.BlockSpec((1, Fin), lambda i: (0, 0)),
            pl.BlockSpec((Fin, Fout), lambda i: (0, 0)),
        ],
        out_specs=pl.BlockSpec((BN, Fout), lambda i: (i, 0)),
        out_shape=jax.ShapeDtypeStruct((N_NODES, Fout), jnp.float32),
    )(acc, g, dinv, b.reshape(1, Fin), W)


def _epilogue_body(acc_ref, g_ref, dv_ref, b_ref, out_ref):
    out_ref[...] = (acc_ref[0] + acc_ref[1] + g_ref[...]) * dv_ref[...] + b_ref[...]


def _epilogue(acc, g, dinv, b):
    F = g.shape[1]
    grid = (N_NODES // BN,)
    return pl.pallas_call(
        _epilogue_body,
        grid=grid,
        in_specs=[
            pl.BlockSpec((NC, BN, F), lambda i: (0, i, 0)),
            pl.BlockSpec((BN, F), lambda i: (i, 0)),
            pl.BlockSpec((BN, 1), lambda i: (i, 0)),
            pl.BlockSpec((1, F), lambda i: (0, 0)),
        ],
        out_specs=pl.BlockSpec((BN, F), lambda i: (i, 0)),
        out_shape=jax.ShapeDtypeStruct((N_NODES, F), jnp.float32),
    )(acc, g, dinv, b.reshape(1, F))


def _final_mm_body(flat_ref, we_ref, be_ref, z_ref):
    k = pl.program_id(0)

    @pl.when(k == 0)
    def _init():
        z_ref[...] = be_ref[...]

    z_ref[...] += jnp.dot(flat_ref[...], we_ref[...],
                          preferred_element_type=jnp.float32)


def _final_matmul(flat, We, be):
    K = flat.shape[1]
    BK = 16000
    grid = (K // BK,)
    return pl.pallas_call(
        _final_mm_body,
        grid=grid,
        in_specs=[
            pl.BlockSpec((1, BK), lambda k: (0, k)),
            pl.BlockSpec((BK, 128), lambda k: (k, 0)),
            pl.BlockSpec((1, 128), lambda k: (0, 0)),
        ],
        out_specs=pl.BlockSpec((1, 128), lambda k: (0, 0)),
        out_shape=jax.ShapeDtypeStruct((1, 128), jnp.float32),
    )(flat, We, be.reshape(1, 128))


def kernel(x, edge_index, W1, b1, W2, b2, W3, b3, We, be):
    src = edge_index[0].astype(jnp.int32)
    dst = edge_index[1].astype(jnp.int32)
    extra = E_PAD - N_EDGES
    pad_src = jnp.arange(extra, dtype=jnp.int32) % N_NODES
    pad_dst = N_NODES + jnp.arange(extra, dtype=jnp.int32) % (N_ACC - N_NODES)
    src2 = jnp.concatenate([src, pad_src]).reshape(E_ROWS, CHUNK)
    dst2 = jnp.concatenate([dst, pad_dst]).reshape(E_ROWS, CHUNK)

    deg = _sc_degree(dst2)
    dinv = lax.rsqrt(deg[0, :N_NODES] + deg[1, :N_NODES])[:, None]

    g1 = _mm_scale(x, W1, dinv)
    a1 = _sc_aggregate(g1, src2, dst2)
    g2 = _fused_layer(a1, g1, dinv, b1, W2)
    a2 = _sc_aggregate(g2, src2, dst2)
    g3 = _fused_layer(a2, g2, dinv, b2, W3)
    a3 = _sc_aggregate(g3, src2, dst2)
    h3 = _epilogue(a3, g3, dinv, b3)

    flat = h3.reshape(1, N_NODES * 32)
    return _final_matmul(flat, We, be)

# --- scband reference (transcript-rebuilt; emitter-appended) ---
"""Pipeline reference for scband-gcn-encoder-2104533975391 (READ-ONLY COPY).

The authoritative reference and input builder live on the scoring server;
editing this copy changes nothing except your own understanding.
"""

import jax, jax.numpy as jnp
import numpy as np

NUM_NODES = 10000
NUM_FEATURES = 128
EMB = [128, 64, 32]
LATENT = 128
NUM_EDGES = 320000


def gcn_conv(x, edge_index, W, b, num_nodes):
    # PyG GCNConv: add self-loops, symmetric normalization, linear transform, scatter-add aggregate
    src = edge_index[0]
    dst = edge_index[1]
    loop = jnp.arange(num_nodes, dtype=edge_index.dtype)
    src = jnp.concatenate([src, loop])
    dst = jnp.concatenate([dst, loop])
    h = x @ W
    deg = jnp.zeros((num_nodes,), dtype=h.dtype).at[dst].add(1.0)
    dinv = jnp.where(deg > 0, 1.0 / jnp.sqrt(deg), 0.0)
    norm = dinv[src] * dinv[dst]
    msg = h[src] * norm[:, None]
    out = jnp.zeros((num_nodes, W.shape[1]), dtype=h.dtype).at[dst].add(msg)
    return out + b


def setup_inputs(seed: int = 0) -> dict:
    key = jax.random.key(seed)
    ks = jax.random.split(key, 12)
    x = jax.random.normal(ks[0], (NUM_NODES, NUM_FEATURES), dtype=jnp.float32)
    edge_index = jax.random.randint(ks[1], (2, NUM_EDGES), 0, NUM_NODES, dtype=jnp.int64)
    def glorot(k, fan_in, fan_out):
        s = jnp.sqrt(6.0 / (fan_in + fan_out))
        return jax.random.uniform(k, (fan_in, fan_out), dtype=jnp.float32, minval=-s, maxval=s)
    W1 = glorot(ks[2], NUM_FEATURES, EMB[0]); b1 = jnp.zeros((EMB[0],), jnp.float32)
    W2 = glorot(ks[3], EMB[0], EMB[1]); b2 = jnp.zeros((EMB[1],), jnp.float32)
    W3 = glorot(ks[4], EMB[1], EMB[2]); b3 = jnp.zeros((EMB[2],), jnp.float32)
    We = glorot(ks[5], NUM_NODES * EMB[2], LATENT); be = jnp.zeros((LATENT,), jnp.float32)
    return {"x": x, "edge_index": edge_index, "W1": W1, "b1": b1, "W2": W2, "b2": b2, "W3": W3, "b3": b3, "We": We, "be": be}


def reference(x, edge_index, W1, b1, W2, b2, W3, b3, We, be):
    h = gcn_conv(x, edge_index, W1, b1, NUM_NODES)
    h = jax.nn.relu(h)
    h = gcn_conv(h, edge_index, W2, b2, NUM_NODES)
    h = jax.nn.relu(h)
    h = gcn_conv(h, edge_index, W3, b3, NUM_NODES)
    flat = h.reshape(-1, NUM_NODES * EMB[2])
    z = flat @ We + be
    return z

if __name__ == "__main__":
    import jax
    _d = setup_inputs()
    print(jax.jit(kernel)(*tuple(_d.values())))

</pallas_src>

<mosaic_0001>
#map = affine_map<(d0, d1) -> (0, 0)>
module attributes {stable_mosaic.version = 14 : i64} {
  func.func @_degree_body(%arg0: i32, %arg1: i32, %arg2: memref<2560x128xi32, #tpu.memory_space<hbm>>, %arg3: memref<2x10240xf32, #tpu.memory_space<hbm>>, %arg4: memref<80x128xi32, #tpu.memory_space<vmem>>, %arg5: memref<128xf32, #tpu.memory_space<vmem>>, %arg6: memref<10240xf32, #tpu.memory_space<vmem_shared>>, %arg7: memref<!tpu.dma_semaphore, #tpu.memory_space<semaphore_mem>>) attributes {dimension_semantics = [#tpu.dimension_semantics<core_parallel>, #tpu.dimension_semantics<subcore_parallel>], iteration_bounds = array<i64: 2, 16>, scalar_prefetch = 0 : i64, scratch_operands = 4 : i64, tpu.core_type = #tpu.core_type<sc_vector_subcore>, window_params = [{transform_indices = #map}, {transform_indices = #map}]} {
    %mul3A = arith.constant 16 : i32
    %mul3A_0 = arith.muli %arg0, %mul3A : i32
    %add3A = arith.addi %mul3A_0, %arg1 : i32
    %eq3A = arith.constant 0 : i32
    %eq3A_1 = arith.cmpi eq, %arg0, %eq3A : i32
    %jit3A = arith.constant 1.000000e+00 : f32
    %jit3A_2 = arith.constant 0.000000e+00 : f32
    %select_n3A = arith.select %eq3A_1, %jit3A, %jit3A_2 : f32
    %broadcast_in_dim3A = arith.constant 0.000000e+00 : f32
    %broadcast_in_dim3A_3 = vector.broadcast %broadcast_in_dim3A : f32 to vector<16xf32>
    %add3A_4 = vector.broadcast %select_n3A : f32 to vector<16xf32>
    %add3A_5 = arith.addf %broadcast_in_dim3A_3, %add3A_4 : vector<16xf32>
    %swap3A = arith.constant 0 : index
    %swap3A_6 = tpu.vector_load %arg5[%swap3A] {strides = array<i32>} : memref<128xf32, #tpu.memory_space<vmem>>, vector<16xf32>,
    %swap3A_7 = vector.shape_cast %swap3A_6 : vector<16xf32> to vector<16xf32>
    %swap3A_8 = vector.shape_cast %add3A_5 : vector<16xf32> to vector<16xf32>
    tpu.vector_store %arg5[%swap3A], %swap3A_8 {strides = array<i32>} : memref<128xf32, #tpu.memory_space<vmem>>, vector<16xf32>,
    %broadcast_in_dim3A_9 = arith.constant 0.000000e+00 : f32
    %broadcast_in_dim3A_10 = vector.broadcast %broadcast_in_dim3A_9 : f32 to vector<16xf32>
    %add3A_11 = vector.broadcast %select_n3A : f32 to vector<16xf32>
    %add3A_12 = arith.addf %broadcast_in_dim3A_10, %add3A_11 : vector<16xf32>
    %swap3A_13 = arith.constant 16 : index
    %swap3A_14 = tpu.vector_load %arg5[%swap3A_13] {strides = array<i32>} : memref<128xf32, #tpu.memory_space<vmem>>, vector<16xf32>,
    %swap3A_15 = vector.shape_cast %swap3A_14 : vector<16xf32> to vector<16xf32>
    %swap3A_16 = vector.shape_cast %add3A_12 : vector<16xf32> to vector<16xf32>
    tpu.vector_store %arg5[%swap3A_13], %swap3A_16 {strides = array<i32>} : memref<128xf32, #tpu.memory_space<vmem>>, vector<16xf32>,
    %broadcast_in_dim3A_17 = arith.constant 0.000000e+00 : f32
    %broadcast_in_dim3A_18 = vector.broadcast %broadcast_in_dim3A_17 : f32 to vector<16xf32>
    %add3A_19 = vector.broadcast %select_n3A : f32 to vector<16xf32>
    %add3A_20 = arith.addf %broadcast_in_dim3A_18, %add3A_19 : vector<16xf32>
    %swap3A_21 = arith.constant 32 : index
    %swap3A_22 = tpu.vector_load %arg5[%swap3A_21] {strides = array<i32>} : memref<128xf32, #tpu.memory_space<vmem>>, vector<16xf32>,
    %swap3A_23 = vector.shape_cast %swap3A_22 : vector<16xf32> to vector<16xf32>
    %swap3A_24 = vector.shape_cast %add3A_20 : vector<16xf32> to vector<16xf32>
    tpu.vector_store %arg5[%swap3A_21], %swap3A_24 {strides = array<i32>} : memref<128xf32, #tpu.memory_space<vmem>>, vector<16xf32>,
    %broadcast_in_dim3A_25 = arith.constant 0.000000e+00 : f32
    %broadcast_in_dim3A_26 = vector.broadcast %broadcast_in_dim3A_25 : f32 to vector<16xf32>
    %add3A_27 = vector.broadcast %select_n3A : f32 to vector<16xf32>
    %add3A_28 = arith.addf %broadcast_in_dim3A_26, %add3A_27 : vector<16xf32>
    %swap3A_29 = arith.constant 48 : index
    %swap3A_30 = tpu.vector_load %arg5[%swap3A_29] {strides = array<i32>} : memref<128xf32, #tpu.memory_space<vmem>>, vector<16xf32>,
    %swap3A_31 = vector.shape_cast %swap3A_30 : vector<16xf32> to vector<16xf32>
    %swap3A_32 = vector.shape_cast %add3A_28 : vector<16xf32> to vector<16xf32>
    tpu.vector_store %arg5[%swap3A_29], %swap3A_32 {strides = array<i32>} : memref<128xf32, #tpu.memory_space<vmem>>, vector<16xf32>,
    %broadcast_in_dim3A_33 = arith.constant 0.000000e+00 : f32
    %broadcast_in_dim3A_34 = vector.broadcast %broadcast_in_dim3A_33 : f32 to vector<16xf32>
    %add3A_35 = vector.broadcast %select_n3A : f32 to vector<16xf32>
    %add3A_36 = arith.addf %broadcast_in_dim3A_34, %add3A_35 : vector<16xf32>
    %swap3A_37 = arith.constant 64 : index
    %swap3A_38 = tpu.vector_load %arg5[%swap3A_37] {strides = array<i32>} : memref<128xf32, #tpu.memory_space<vmem>>, vector<16xf32>,
    %swap3A_39 = vector.shape_cast %swap3A_38 : vector<16xf32> to vector<16xf32>
    %swap3A_40 = vector.shape_cast %add3A_36 : vector<16xf32> to vector<16xf32>
    tpu.vector_store %arg5[%swap3A_37], %swap3A_40 {strides = array<i32>} : memref<128xf32, #tpu.memory_space<vmem>>, vector<16xf32>,
    %broadcast_in_dim3A_41 = arith.constant 0.000000e+00 : f32
    %broadcast_in_dim3A_42 = vector.broadcast %broadcast_in_dim3A_41 : f32 to vector<16xf32>
    %add3A_43 = vector.broadcast %select_n3A : f32 to vector<16xf32>
    %add3A_44 = arith.addf %broadcast_in_dim3A_42, %add3A_43 : vector<16xf32>
    %swap3A_45 = arith.constant 80 : index
    %swap3A_46 = tpu.vector_load %arg5[%swap3A_45] {strides = array<i32>} : memref<128xf32, #tpu.memory_space<vmem>>, vector<16xf32>,
    %swap3A_47 = vector.shape_cast %swap3A_46 : vector<16xf32> to vector<16xf32>
    %swap3A_48 = vector.shape_cast %add3A_44 : vector<16xf32> to vector<16xf32>
    tpu.vector_store %arg5[%swap3A_45], %swap3A_48 {strides = array<i32>} : memref<128xf32, #tpu.memory_space<vmem>>, vector<16xf32>,
    %broadcast_in_dim3A_49 = arith.constant 0.000000e+00 : f32
    %broadcast_in_dim3A_50 = vector.broadcast %broadcast_in_dim3A_49 : f32 to vector<16xf32>
    %add3A_51 = vector.broadcast %select_n3A : f32 to vector<16xf32>
    %add3A_52 = arith.addf %broadcast_in_dim3A_50, %add3A_51 : vector<16xf32>
    %swap3A_53 = arith.constant 96 : index
    %swap3A_54 = tpu.vector_load %arg5[%swap3A_53] {strides = array<i32>} : memref<128xf32, #tpu.memory_space<vmem>>, vector<16xf32>,
    %swap3A_55 = vector.shape_cast %swap3A_54 : vector<16xf32> to vector<16xf32>
    %swap3A_56 = vector.shape_cast %add3A_52 : vector<16xf32> to vector<16xf32>
    tpu.vector_store %arg5[%swap3A_53], %swap3A_56 {strides = array<i32>} : memref<128xf32, #tpu.memory_space<vmem>>, vector<16xf32>,
    %broadcast_in_dim3A_57 = arith.constant 0.000000e+00 : f32
    %broadcast_in_dim3A_58 = vector.broadcast %broadcast_in_dim3A_57 : f32 to vector<16xf32>
    %add3A_59 = vector.broadcast %select_n3A : f32 to vector<16xf32>
    %add3A_60 = arith.addf %broadcast_in_dim3A_58, %add3A_59 : vector<16xf32>
    %swap3A_61 = arith.constant 112 : index
    %swap3A_62 = tpu.vector_load %arg5[%swap3A_61] {strides = array<i32>} : memref<128xf32, #tpu.memory_space<vmem>>, vector<16xf32>,
    %swap3A_63 = vector.shape_cast %swap3A_62 : vector<16xf32> to vector<16xf32>
    %swap3A_64 = vector.shape_cast %add3A_60 : vector<16xf32> to vector<16xf32>
    tpu.vector_store %arg5[%swap3A_61], %swap3A_64 {strides = array<i32>} : memref<128xf32, #tpu.memory_space<vmem>>, vector<16xf32>,
    %scan3A = arith.constant 0 : i32
    %scan3A_65 = arith.constant 0 : i32
    %scan3A_66 = arith.constant 5 : i32
    %scan3A_67 = arith.addi %scan3A_65, %scan3A_66 : i32
    %scan3A_68 = arith.constant 1 : i32
    %scan3A_69 = scf.for %scan3A_157 = %scan3A_65 to %scan3A_67 step %scan3A_68 iter_args(%scan3A_158 = %scan3A) -> (i32)  : i32 {
      %mul3A_159 = arith.constant 640 : i32
      %mul3A_160 = arith.muli %mul3A_159, %arg1 : i32
      %mul3A_161 = arith.constant 128 : i32
      %mul3A_162 = arith.muli %mul3A_161, %scan3A_157 : i32
      %add3A_163 = arith.addi %mul3A_160, %mul3A_162 : i32
      "tpu.region"() ({
        %run_scoped3A = tpu.sem_alloc : memref<!tpu.dma_semaphore, #tpu.memory_space<semaphore_mem>>
        %dma_start3A = tpu.memref_slice %arg6[%add3A_163] : memref<10240xf32, #tpu.memory_space<vmem_shared>> -> memref<128xf32, #tpu.memory_space<vmem_shared>>
        %dma_start3A_165 = tpu.memref_slice %arg6[%add3A_163] : memref<10240xf32, #tpu.memory_space<vmem_shared>> -> memref<128xf32, #tpu.memory_space<vmem_shared>>
        tpu.enqueue_dma source(%arg5 : memref<128xf32, #tpu.memory_space<vmem>>) target(%dma_start3A_165 : memref<128xf32, #tpu.memory_space<vmem_shared>>) target_semaphore(%run_scoped3A : memref<!tpu.dma_semaphore, #tpu.memory_space<semaphore_mem>>)
        %dma_wait3A = tpu.memref_slice %arg6[%add3A_163] : memref<10240xf32, #tpu.memory_space<vmem_shared>> -> memref<128xf32, #tpu.memory_space<vmem_shared>>
        %dma_wait3A_166 = tpu.memref_slice %arg6[%add3A_163] : memref<10240xf32, #tpu.memory_space<vmem_shared>> -> memref<128xf32, #tpu.memory_space<vmem_shared>>
        tpu.wait_dma2 semaphore(%run_scoped3A : memref<!tpu.dma_semaphore, #tpu.memory_space<semaphore_mem>>) src(%arg5 : memref<128xf32, #tpu.memory_space<vmem>>) dst(%dma_wait3A_166 : memref<128xf32, #tpu.memory_space<vmem_shared>>)
        tpu.yield
      }) : () -> ()
      %scan3A_164 = arith.constant 0 : i32
      scf.yield %scan3A_164 : i32
    }
    %scan3A_70 = arith.constant 5 : i32
    %broadcast_in_dim3A_71 = arith.constant 0.000000e+00 : f32
    %broadcast_in_dim3A_72 = vector.broadcast %broadcast_in_dim3A_71 : f32 to vector<16xf32>
    %add3A_73 = arith.constant 1.000000e+00 : f32
    %add3A_74 = vector.broadcast %add3A_73 : f32 to vector<16xf32>
    %add3A_75 = arith.addf %broadcast_in_dim3A_72, %add3A_74 : vector<16xf32>
    %swap3A_76 = arith.constant 0 : index
    %swap3A_77 = tpu.vector_load %arg5[%swap3A_76] {strides = array<i32>} : memref<128xf32, #tpu.memory_space<vmem>>, vector<16xf32>,
    %swap3A_78 = vector.shape_cast %swap3A_77 : vector<16xf32> to vector<16xf32>
    %swap3A_79 = vector.shape_cast %add3A_75 : vector<16xf32> to vector<16xf32>
    tpu.vector_store %arg5[%swap3A_76], %swap3A_79 {strides = array<i32>} : memref<128xf32, #tpu.memory_space<vmem>>, vector<16xf32>,
    %broadcast_in_dim3A_80 = arith.constant 0.000000e+00 : f32
    %broadcast_in_dim3A_81 = vector.broadcast %broadcast_in_dim3A_80 : f32 to vector<16xf32>
    %add3A_82 = arith.constant 1.000000e+00 : f32
    %add3A_83 = vector.broadcast %add3A_82 : f32 to vector<16xf32>
    %add3A_84 = arith.addf %broadcast_in_dim3A_81, %add3A_83 : vector<16xf32>
    %swap3A_85 = arith.constant 16 : index
    %swap3A_86 = tpu.vector_load %arg5[%swap3A_85] {strides = array<i32>} : memref<128xf32, #tpu.memory_space<vmem>>, vector<16xf32>,
    %swap3A_87 = vector.shape_cast %swap3A_86 : vector<16xf32> to vector<16xf32>
    %swap3A_88 = vector.shape_cast %add3A_84 : vector<16xf32> to vector<16xf32>
    tpu.vector_store %arg5[%swap3A_85], %swap3A_88 {strides = array<i32>} : memref<128xf32, #tpu.memory_space<vmem>>, vector<16xf32>,
    %broadcast_in_dim3A_89 = arith.constant 0.000000e+00 : f32
    %broadcast_in_dim3A_90 = vector.broadcast %broadcast_in_dim3A_89 : f32 to vector<16xf32>
    %add3A_91 = arith.constant 1.000000e+00 : f32
    %add3A_92 = vector.broadcast %add3A_91 : f32 to vector<16xf32>
    %add3A_93 = arith.addf %broadcast_in_dim3A_90, %add3A_92 : vector<16xf32>
    %swap3A_94 = arith.constant 32 : index
    %swap3A_95 = tpu.vector_load %arg5[%swap3A_94] {strides = array<i32>} : memref<128xf32, #tpu.memory_space<vmem>>, vector<16xf32>,
    %swap3A_96 = vector.shape_cast %swap3A_95 : vector<16xf32> to vector<16xf32>
    %swap3A_97 = vector.shape_cast %add3A_93 : vector<16xf32> to vector<16xf32>
    tpu.vector_store %arg5[%swap3A_94], %swap3A_97 {strides = array<i32>} : memref<128xf32, #tpu.memory_space<vmem>>, vector<16xf32>,
    %broadcast_in_dim3A_98 = arith.constant 0.000000e+00 : f32
    %broadcast_in_dim3A_99 = vector.broadcast %broadcast_in_dim3A_98 : f32 to vector<16xf32>
    %add3A_100 = arith.constant 1.000000e+00 : f32
    %add3A_101 = vector.broadcast %add3A_100 : f32 to vector<16xf32>
    %add3A_102 = arith.addf %broadcast_in_dim3A_99, %add3A_101 : vector<16xf32>
    %swap3A_103 = arith.constant 48 : index
    %swap3A_104 = tpu.vector_load %arg5[%swap3A_103] {strides = array<i32>} : memref<128xf32, #tpu.memory_space<vmem>>, vector<16xf32>,
    %swap3A_105 = vector.shape_cast %swap3A_104 : vector<16xf32> to vector<16xf32>
    %swap3A_106 = vector.shape_cast %add3A_102 : vector<16xf32> to vector<16xf32>
    tpu.vector_store %arg5[%swap3A_103], %swap3A_106 {strides = array<i32>} : memref<128xf32, #tpu.memory_space<vmem>>, vector<16xf32>,
    %broadcast_in_dim3A_107 = arith.constant 0.000000e+00 : f32
    %broadcast_in_dim3A_108 = vector.broadcast %broadcast_in_dim3A_107 : f32 to vector<16xf32>
    %add3A_109 = arith.constant 1.000000e+00 : f32
    %add3A_110 = vector.broadcast %add3A_109 : f32 to vector<16xf32>
    %add3A_111 = arith.addf %broadcast_in_dim3A_108, %add3A_110 : vector<16xf32>
    %swap3A_112 = arith.constant 64 : index
    %swap3A_113 = tpu.vector_load %arg5[%swap3A_112] {strides = array<i32>} : memref<128xf32, #tpu.memory_space<vmem>>, vector<16xf32>,
    %swap3A_114 = vector.shape_cast %swap3A_113 : vector<16xf32> to vector<16xf32>
    %swap3A_115 = vector.shape_cast %add3A_111 : vector<16xf32> to vector<16xf32>
    tpu.vector_store %arg5[%swap3A_112], %swap3A_115 {strides = array<i32>} : memref<128xf32, #tpu.memory_space<vmem>>, vector<16xf32>,
    %broadcast_in_dim3A_116 = arith.constant 0.000000e+00 : f32
    %broadcast_in_dim3A_117 = vector.broadcast %broadcast_in_dim3A_116 : f32 to vector<16xf32>
    %add3A_118 = arith.constant 1.000000e+00 : f32
    %add3A_119 = vector.broadcast %add3A_118 : f32 to vector<16xf32>
    %add3A_120 = arith.addf %broadcast_in_dim3A_117, %add3A_119 : vector<16xf32>
    %swap3A_121 = arith.constant 80 : index
    %swap3A_122 = tpu.vector_load %arg5[%swap3A_121] {strides = array<i32>} : memref<128xf32, #tpu.memory_space<vmem>>, vector<16xf32>,
    %swap3A_123 = vector.shape_cast %swap3A_122 : vector<16xf32> to vector<16xf32>
    %swap3A_124 = vector.shape_cast %add3A_120 : vector<16xf32> to vector<16xf32>
    tpu.vector_store %arg5[%swap3A_121], %swap3A_124 {strides = array<i32>} : memref<128xf32, #tpu.memory_space<vmem>>, vector<16xf32>,
    %broadcast_in_dim3A_125 = arith.constant 0.000000e+00 : f32
    %broadcast_in_dim3A_126 = vector.broadcast %broadcast_in_dim3A_125 : f32 to vector<16xf32>
    %add3A_127 = arith.constant 1.000000e+00 : f32
    %add3A_128 = vector.broadcast %add3A_127 : f32 to vector<16xf32>
    %add3A_129 = arith.addf %broadcast_in_dim3A_126, %add3A_128 : vector<16xf32>
    %swap3A_130 = arith.constant 96 : index
    %swap3A_131 = tpu.vector_load %arg5[%swap3A_130] {strides = array<i32>} : memref<128xf32, #tpu.memory_space<vmem>>, vector<16xf32>,
    %swap3A_132 = vector.shape_cast %swap3A_131 : vector<16xf32> to vector<16xf32>
    %swap3A_133 = vector.shape_cast %add3A_129 : vector<16xf32> to vector<16xf32>
    tpu.vector_store %arg5[%swap3A_130], %swap3A_133 {strides = array<i32>} : memref<128xf32, #tpu.memory_space<vmem>>, vector<16xf32>,
    %broadcast_in_dim3A_134 = arith.constant 0.000000e+00 : f32
    %broadcast_in_dim3A_135 = vector.broadcast %broadcast_in_dim3A_134 : f32 to vector<16xf32>
    %add3A_136 = arith.constant 1.000000e+00 : f32
    %add3A_137 = vector.broadcast %add3A_136 : f32 to vector<16xf32>
    %add3A_138 = arith.addf %broadcast_in_dim3A_135, %add3A_137 : vector<16xf32>
    %swap3A_139 = arith.constant 112 : index
    %swap3A_140 = tpu.vector_load %arg5[%swap3A_139] {strides = array<i32>} : memref<128xf32, #tpu.memory_space<vmem>>, vector<16xf32>,
    %swap3A_141 = vector.shape_cast %swap3A_140 : vector<16xf32> to vector<16xf32>
    %swap3A_142 = vector.shape_cast %add3A_138 : vector<16xf32> to vector<16xf32>
    tpu.vector_store %arg5[%swap3A_139], %swap3A_142 {strides = array<i32>} : memref<128xf32, #tpu.memory_space<vmem>>, vector<16xf32>,
    %barrier3A = arith.constant 0 : index
    tpu.barrier barrier_id(%barrier3A)
    %mul3A_143 = arith.constant 80 : i32
    %mul3A_144 = arith.muli %add3A, %mul3A_143 : i32
    "tpu.region"() ({
      %run_scoped3A = tpu.sem_alloc : memref<!tpu.dma_semaphore, #tpu.memory_space<semaphore_mem>>
      %dma_start3A = arith.constant 0 : i32
      %dma_start3A_157 = tpu.memref_slice %arg2[%mul3A_144, %dma_start3A] : memref<2560x128xi32, #tpu.memory_space<hbm>> -> memref<80x128xi32, #tpu.memory_space<hbm>>
      %dma_start3A_158 = arith.constant 0 : i32
      %dma_start3A_159 = tpu.memref_slice %arg2[%mul3A_144, %dma_start3A_158] : memref<2560x128xi32, #tpu.memory_space<hbm>> -> memref<80x128xi32, #tpu.memory_space<hbm>>
      tpu.enqueue_dma source(%dma_start3A_159 : memref<80x128xi32, #tpu.memory_space<hbm>>) target(%arg4 : memref<80x128xi32, #tpu.memory_space<vmem>>) target_semaphore(%run_scoped3A : memref<!tpu.dma_semaphore, #tpu.memory_space<semaphore_mem>>)
      %dma_wait3A = arith.constant 0 : i32
      %dma_wait3A_160 = tpu.memref_slice %arg2[%mul3A_144, %dma_wait3A] : memref<2560x128xi32, #tpu.memory_space<hbm>> -> memref<80x128xi32, #tpu.memory_space<hbm>>
      %dma_wait3A_161 = arith.constant 0 : i32
      %dma_wait3A_162 = tpu.memref_slice %arg2[%mul3A_144, %dma_wait3A_161] : memref<2560x128xi32, #tpu.memory_space<hbm>> -> memref<80x128xi32, #tpu.memory_space<hbm>>
      tpu.wait_dma2 semaphore(%run_scoped3A : memref<!tpu.dma_semaphore, #tpu.memory_space<semaphore_mem>>) src(%dma_wait3A_162 : memref<80x128xi32, #tpu.memory_space<hbm>>) dst(%arg4 : memref<80x128xi32, #tpu.memory_space<vmem>>)
      tpu.yield
    }) : () -> ()
    %scan3A_145 = arith.constant 0 : i32
    %scan3A_146 = arith.constant 0 : i32
    %scan3A_147 = arith.constant 80 : i32
    %scan3A_148 = arith.addi %scan3A_146, %scan3A_147 : i32
    %scan3A_149 = arith.constant 1 : i32
    %scan3A_150 = scf.for %scan3A_157 = %scan3A_146 to %scan3A_148 step %scan3A_149 iter_args(%scan3A_158 = %scan3A_145) -> (i32)  : i32 {
      "tpu.region"() ({
        %run_scoped3A = tpu.sem_alloc : memref<!tpu.dma_semaphore, #tpu.memory_space<semaphore_mem>>
        %dma_start3A = arith.constant 0 : i32
        %dma_start3A_160 = tpu.memref_slice %arg4[%scan3A_157, %dma_start3A] : memref<80x128xi32, #tpu.memory_space<vmem>> -> memref<1x128xi32, #tpu.memory_space<vmem>>
        %dma_start3A_161 = tpu.memref_squeeze %dma_start3A_160 : memref<1x128xi32, #tpu.memory_space<vmem>> -> memref<128xi32, #tpu.memory_space<vmem>>
        %dma_start3A_162 = arith.constant 0 : i32
        %dma_start3A_163 = tpu.memref_slice %arg6[%dma_start3A_162] : memref<10240xf32, #tpu.memory_space<vmem_shared>> -> memref<10240xf32, #tpu.memory_space<vmem_shared>>
        tpu.enqueue_indirect_dma source(%arg5 : memref<128xf32, #tpu.memory_space<vmem>>) target(%dma_start3A_163 : memref<10240xf32, #tpu.memory_space<vmem_shared>>) offsets(%dma_start3A_161 : memref<128xi32, #tpu.memory_space<vmem>>) semaphore(%run_scoped3A : memref<!tpu.dma_semaphore, #tpu.memory_space<semaphore_mem>>) {add = true}
        %dma_wait3A = arith.constant 0 : i32
        %dma_wait3A_164 = tpu.memref_slice %arg4[%scan3A_157, %dma_wait3A] : memref<80x128xi32, #tpu.memory_space<vmem>> -> memref<1x128xi32, #tpu.memory_space<vmem>>
        %dma_wait3A_165 = tpu.memref_squeeze %dma_wait3A_164 : memref<1x128xi32, #tpu.memory_space<vmem>> -> memref<128xi32, #tpu.memory_space<vmem>>
        %dma_wait3A_166 = arith.constant 0 : i32
        %dma_wait3A_167 = tpu.memref_slice %arg6[%dma_wait3A_166] : memref<10240xf32, #tpu.memory_space<vmem_shared>> -> memref<10240xf32, #tpu.memory_space<vmem_shared>>
        tpu.wait_indirect_dma semaphore(%run_scoped3A : memref<!tpu.dma_semaphore, #tpu.memory_space<semaphore_mem>>) src(%arg5 : memref<128xf32, #tpu.memory_space<vmem>>) dst(%dma_wait3A_167 : memref<10240xf32, #tpu.memory_space<vmem_shared>>)
        tpu.yield
      }) : () -> ()
      %scan3A_159 = arith.constant 0 : i32
      scf.yield %scan3A_159 : i32
    }
    %scan3A_151 = arith.constant 80 : i32
    %barrier3A_152 = arith.constant 0 : index
    tpu.barrier barrier_id(%barrier3A_152)
    %mul3A_153 = arith.constant 640 : i32
    %mul3A_154 = arith.muli %mul3A_153, %arg1 : i32
    %mul3A_155 = arith.constant 640 : i32
    %mul3A_156 = arith.muli %mul3A_155, %arg1 : i32
    "tpu.region"() ({
      %run_scoped3A = tpu.sem_alloc : memref<!tpu.dma_semaphore, #tpu.memory_space<semaphore_mem>>
      %dma_start3A = tpu.memref_slice %arg3[%arg0, %mul3A_156] : memref<2x10240xf32, #tpu.memory_space<hbm>> -> memref<1x640xf32, #tpu.memory_space<hbm>>
      %dma_start3A_157 = tpu.memref_squeeze %dma_start3A : memref<1x640xf32, #tpu.memory_space<hbm>> -> memref<640xf32, #tpu.memory_space<hbm>>
      %dma_start3A_158 = tpu.memref_slice %arg6[%mul3A_154] : memref<10240xf32, #tpu.memory_space<vmem_shared>> -> memref<640xf32, #tpu.memory_space<vmem_shared>>
      tpu.enqueue_dma source(%dma_start3A_158 : memref<640xf32, #tpu.memory_space<vmem_shared>>) target(%dma_start3A_157 : memref<640xf32, #tpu.memory_space<hbm>>) target_semaphore(%run_scoped3A : memref<!tpu.dma_semaphore, #tpu.memory_space<semaphore_mem>>)
      %dma_wait3A = tpu.memref_slice %arg3[%arg0, %mul3A_156] : memref<2x10240xf32, #tpu.memory_space<hbm>> -> memref<1x640xf32, #tpu.memory_space<hbm>>
      %dma_wait3A_159 = tpu.memref_squeeze %dma_wait3A : memref<1x640xf32, #tpu.memory_space<hbm>> -> memref<640xf32, #tpu.memory_space<hbm>>
      %dma_wait3A_160 = tpu.memref_slice %arg6[%mul3A_154] : memref<10240xf32, #tpu.memory_space<vmem_shared>> -> memref<640xf32, #tpu.memory_space<vmem_shared>>
      tpu.wait_dma2 semaphore(%run_scoped3A : memref<!tpu.dma_semaphore, #tpu.memory_space<semaphore_mem>>) src(%dma_wait3A_160 : memref<640xf32, #tpu.memory_space<vmem_shared>>) dst(%dma_wait3A_159 : memref<640xf32, #tpu.memory_space<hbm>>)
      tpu.yield
    }) : () -> ()
    return
  }
}

#map = affine_map<(d0, d1) -> (0, 0)>
#map1 = affine_map<(d0, d1) -> (0, 0, 0)>
module attributes {stable_mosaic.version = 14 : i64} {
  func.func @body(%arg0: i32, %arg1: i32, %arg2: memref<10000x64xf32, #tpu.memory_space<hbm>>, %arg3: memref<2560x128xi32, #tpu.memory_space<hbm>>, %arg4: memref<2560x128xi32, #tpu.memory_space<hbm>>, %arg5: memref<2x10240x64xf32, #tpu.memory_space<hbm>>, %arg6: memref<80x128xi32, #tpu.memory_space<vmem>>, %arg7: memref<80x128xi32, #tpu.memory_space<vmem>>, %arg8: memref<128x64xf32, #tpu.memory_space<vmem>>, %arg9: memref<10000x64xf32, #tpu.memory_space<vmem_shared>>, %arg10: memref<10240x64xf32, #tpu.memory_space<vmem_shared>>, %arg11: memref<!tpu.dma_semaphore, #tpu.memory_space<semaphore_mem>>) attributes {dimension_semantics = [#tpu.dimension_semantics<core_parallel>, #tpu.dimension_semantics<subcore_parallel>], iteration_bounds = array<i64: 2, 16>, scalar_prefetch = 0 : i64, scratch_operands = 6 : i64, tpu.core_type = #tpu.core_type<sc_vector_subcore>, window_params = [{transform_indices = #map}, {transform_indices = #map}, {transform_indices = #map}, {transform_indices = #map1}]} {
    %mul3A = arith.constant 16 : i32
    %mul3A_0 = arith.muli %arg0, %mul3A : i32
    %add3A = arith.addi %mul3A_0, %arg1 : i32
    %scan3A = arith.constant 0 : i32
    %scan3A_1 = arith.constant 0 : i32
    %scan3A_2 = arith.constant 128 : i32
    %scan3A_3 = arith.addi %scan3A_1, %scan3A_2 : i32
    %scan3A_4 = arith.constant 1 : i32
    %scan3A_5 = scf.for %scan3A_34 = %scan3A_1 to %scan3A_3 step %scan3A_4 iter_args(%scan3A_35 = %scan3A) -> (i32)  : i32 {
      %broadcast_in_dim3A = arith.constant 0.000000e+00 : f32
      %broadcast_in_dim3A_36 = vector.broadcast %broadcast_in_dim3A : f32 to vector<16xf32>
      %swap3A = arith.index_cast %scan3A_34 : i32 to index
      %swap3A_37 = arith.constant 0 : index
      %swap3A_38 = tpu.vector_load %arg8[%swap3A, %swap3A_37] {strides = array<i32>} : memref<128x64xf32, #tpu.memory_space<vmem>>, vector<1x16xf32>,
      %swap3A_39 = vector.shape_cast %swap3A_38 : vector<1x16xf32> to vector<16xf32>
      %swap3A_40 = vector.shape_cast %broadcast_in_dim3A_36 : vector<16xf32> to vector<1x16xf32>
      tpu.vector_store %arg8[%swap3A, %swap3A_37], %swap3A_40 {strides = array<i32>} : memref<128x64xf32, #tpu.memory_space<vmem>>, vector<1x16xf32>,
      %broadcast_in_dim3A_41 = arith.constant 0.000000e+00 : f32
      %broadcast_in_dim3A_42 = vector.broadcast %broadcast_in_dim3A_41 : f32 to vector<16xf32>
      %swap3A_43 = arith.index_cast %scan3A_34 : i32 to index
      %swap3A_44 = arith.constant 16 : index
      %swap3A_45 = tpu.vector_load %arg8[%swap3A_43, %swap3A_44] {strides = array<i32>} : memref<128x64xf32, #tpu.memory_space<vmem>>, vector<1x16xf32>,
      %swap3A_46 = vector.shape_cast %swap3A_45 : vector<1x16xf32> to vector<16xf32>
      %swap3A_47 = vector.shape_cast %broadcast_in_dim3A_42 : vector<16xf32> to vector<1x16xf32>
      tpu.vector_store %arg8[%swap3A_43, %swap3A_44], %swap3A_47 {strides = array<i32>} : memref<128x64xf32, #tpu.memory_space<vmem>>, vector<1x16xf32>,
      %broadcast_in_dim3A_48 = arith.constant 0.000000e+00 : f32
      %broadcast_in_dim3A_49 = vector.broadcast %broadcast_in_dim3A_48 : f32 to vector<16xf32>
      %swap3A_50 = arith.index_cast %scan3A_34 : i32 to index
      %swap3A_51 = arith.constant 32 : index
      %swap3A_52 = tpu.vector_load %arg8[%swap3A_50, %swap3A_51] {strides = array<i32>} : memref<128x64xf32, #tpu.memory_space<vmem>>, vector<1x16xf32>,
      %swap3A_53 = vector.shape_cast %swap3A_52 : vector<1x16xf32> to vector<16xf32>
      %swap3A_54 = vector.shape_cast %broadcast_in_dim3A_49 : vector<16xf32> to vector<1x16xf32>
      tpu.vector_store %arg8[%swap3A_50, %swap3A_51], %swap3A_54 {strides = array<i32>} : memref<128x64xf32, #tpu.memory_space<vmem>>, vector<1x16xf32>,
      %broadcast_in_dim3A_55 = arith.constant 0.000000e+00 : f32
      %broadcast_in_dim3A_56 = vector.broadcast %broadcast_in_dim3A_55 : f32 to vector<16xf32>
      %swap3A_57 = arith.index_cast %scan3A_34 : i32 to index
      %swap3A_58 = arith.constant 48 : index
      %swap3A_59 = tpu.vector_load %arg8[%swap3A_57, %swap3A_58] {strides = array<i32>} : memref<128x64xf32, #tpu.memory_space<vmem>>, vector<1x16xf32>,
      %swap3A_60 = vector.shape_cast %swap3A_59 : vector<1x16xf32> to vector<16xf32>
      %swap3A_61 = vector.shape_cast %broadcast_in_dim3A_56 : vector<16xf32> to vector<1x16xf32>
      tpu.vector_store %arg8[%swap3A_57, %swap3A_58], %swap3A_61 {strides = array<i32>} : memref<128x64xf32, #tpu.memory_space<vmem>>, vector<1x16xf32>,
      %scan3A_62 = arith.constant 0 : i32
      scf.yield %scan3A_62 : i32
    }
    %scan3A_6 = arith.constant 128 : i32
    %scan3A_7 = arith.constant 0 : i32
    %scan3A_8 = arith.constant 0 : i32
    %scan3A_9 = arith.constant 5 : i32
    %scan3A_10 = arith.addi %scan3A_8, %scan3A_9 : i32
    %scan3A_11 = arith.constant 1 : i32
    %scan3A_12 = scf.for %scan3A_34 = %scan3A_8 to %scan3A_10 step %scan3A_11 iter_args(%scan3A_35 = %scan3A_7) -> (i32)  : i32 {
      %mul3A_36 = arith.constant 640 : i32
      %mul3A_37 = arith.muli %mul3A_36, %arg1 : i32
      %mul3A_38 = arith.constant 128 : i32
      %mul3A_39 = arith.muli %mul3A_38, %scan3A_34 : i32
      %add3A_40 = arith.addi %mul3A_37, %mul3A_39 : i32
      "tpu.region"() ({
        %run_scoped3A = tpu.sem_alloc : memref<!tpu.dma_semaphore, #tpu.memory_space<semaphore_mem>>
        %dma_start3A = arith.constant 0 : i32
        %dma_start3A_42 = tpu.memref_slice %arg10[%add3A_40, %dma_start3A] : memref<10240x64xf32, #tpu.memory_space<vmem_shared>> -> memref<128x64xf32, #tpu.memory_space<vmem_shared>>
        %dma_start3A_43 = arith.constant 0 : i32
        %dma_start3A_44 = tpu.memref_slice %arg10[%add3A_40, %dma_start3A_43] : memref<10240x64xf32, #tpu.memory_space<vmem_shared>> -> memref<128x64xf32, #tpu.memory_space<vmem_shared>>
        tpu.enqueue_dma source(%arg8 : memref<128x64xf32, #tpu.memory_space<vmem>>) target(%dma_start3A_44 : memref<128x64xf32, #tpu.memory_space<vmem_shared>>) target_semaphore(%run_scoped3A : memref<!tpu.dma_semaphore, #tpu.memory_space<semaphore_mem>>)
        %dma_wait3A = arith.constant 0 : i32
        %dma_wait3A_45 = tpu.memref_slice %arg10[%add3A_40, %dma_wait3A] : memref<10240x64xf32, #tpu.memory_space<vmem_shared>> -> memref<128x64xf32, #tpu.memory_space<vmem_shared>>
        %dma_wait3A_46 = arith.constant 0 : i32
        %dma_wait3A_47 = tpu.memref_slice %arg10[%add3A_40, %dma_wait3A_46] : memref<10240x64xf32, #tpu.memory_space<vmem_shared>> -> memref<128x64xf32, #tpu.memory_space<vmem_shared>>
        tpu.wait_dma2 semaphore(%run_scoped3A : memref<!tpu.dma_semaphore, #tpu.memory_space<semaphore_mem>>) src(%arg8 : memref<128x64xf32, #tpu.memory_space<vmem>>) dst(%dma_wait3A_47 : memref<128x64xf32, #tpu.memory_space<vmem_shared>>)
        tpu.yield
      }) : () -> ()
      %scan3A_41 = arith.constant 0 : i32
      scf.yield %scan3A_41 : i32
    }
    %scan3A_13 = arith.constant 5 : i32
    %mul3A_14 = arith.constant 625 : i32
    %mul3A_15 = arith.muli %mul3A_14, %arg1 : i32
    %mul3A_16 = arith.constant 625 : i32
    %mul3A_17 = arith.muli %mul3A_16, %arg1 : i32
    "tpu.region"() ({
      %run_scoped3A = tpu.sem_alloc : memref<!tpu.dma_semaphore, #tpu.memory_space<semaphore_mem>>
      %dma_start3A = arith.constant 0 : i32
      %dma_start3A_34 = tpu.memref_slice %arg9[%mul3A_17, %dma_start3A] : memref<10000x64xf32, #tpu.memory_space<vmem_shared>> -> memref<625x64xf32, #tpu.memory_space<vmem_shared>>
      %dma_start3A_35 = arith.constant 0 : i32
      %dma_start3A_36 = tpu.memref_slice %arg2[%mul3A_15, %dma_start3A_35] : memref<10000x64xf32, #tpu.memory_space<hbm>> -> memref<625x64xf32, #tpu.memory_space<hbm>>
      tpu.enqueue_dma source(%dma_start3A_36 : memref<625x64xf32, #tpu.memory_space<hbm>>) target(%dma_start3A_34 : memref<625x64xf32, #tpu.memory_space<vmem_shared>>) target_semaphore(%run_scoped3A : memref<!tpu.dma_semaphore, #tpu.memory_space<semaphore_mem>>)
      %dma_wait3A = arith.constant 0 : i32
      %dma_wait3A_37 = tpu.memref_slice %arg9[%mul3A_17, %dma_wait3A] : memref<10000x64xf32, #tpu.memory_space<vmem_shared>> -> memref<625x64xf32, #tpu.memory_space<vmem_shared>>
      %dma_wait3A_38 = arith.constant 0 : i32
      %dma_wait3A_39 = tpu.memref_slice %arg2[%mul3A_15, %dma_wait3A_38] : memref<10000x64xf32, #tpu.memory_space<hbm>> -> memref<625x64xf32, #tpu.memory_space<hbm>>
      tpu.wait_dma2 semaphore(%run_scoped3A : memref<!tpu.dma_semaphore, #tpu.memory_space<semaphore_mem>>) src(%dma_wait3A_39 : memref<625x64xf32, #tpu.memory_space<hbm>>) dst(%dma_wait3A_37 : memref<625x64xf32, #tpu.memory_space<vmem_shared>>)
      tpu.yield
    }) : () -> ()
    %barrier3A = arith.constant 0 : index
    tpu.barrier barrier_id(%barrier3A)
    %mul3A_18 = arith.constant 80 : i32
    %mul3A_19 = arith.muli %add3A, %mul3A_18 : i32
    "tpu.region"() ({
      %run_scoped3A = tpu.sem_alloc : memref<!tpu.dma_semaphore, #tpu.memory_space<semaphore_mem>>
      %dma_start3A = arith.constant 0 : i32
      %dma_start3A_34 = tpu.memref_slice %arg3[%mul3A_19, %dma_start3A] : memref<2560x128xi32, #tpu.memory_space<hbm>> -> memref<80x128xi32, #tpu.memory_space<hbm>>
      %dma_start3A_35 = arith.constant 0 : i32
      %dma_start3A_36 = tpu.memref_slice %arg3[%mul3A_19, %dma_start3A_35] : memref<2560x128xi32, #tpu.memory_space<hbm>> -> memref<80x128xi32, #tpu.memory_space<hbm>>
      tpu.enqueue_dma source(%dma_start3A_36 : memref<80x128xi32, #tpu.memory_space<hbm>>) target(%arg6 : memref<80x128xi32, #tpu.memory_space<vmem>>) target_semaphore(%run_scoped3A : memref<!tpu.dma_semaphore, #tpu.memory_space<semaphore_mem>>)
      %dma_wait3A = arith.constant 0 : i32
      %dma_wait3A_37 = tpu.memref_slice %arg3[%mul3A_19, %dma_wait3A] : memref<2560x128xi32, #tpu.memory_space<hbm>> -> memref<80x128xi32, #tpu.memory_space<hbm>>
      %dma_wait3A_38 = arith.constant 0 : i32
      %dma_wait3A_39 = tpu.memref_slice %arg3[%mul3A_19, %dma_wait3A_38] : memref<2560x128xi32, #tpu.memory_space<hbm>> -> memref<80x128xi32, #tpu.memory_space<hbm>>
      tpu.wait_dma2 semaphore(%run_scoped3A : memref<!tpu.dma_semaphore, #tpu.memory_space<semaphore_mem>>) src(%dma_wait3A_39 : memref<80x128xi32, #tpu.memory_space<hbm>>) dst(%arg6 : memref<80x128xi32, #tpu.memory_space<vmem>>)
      tpu.yield
    }) : () -> ()
    %mul3A_20 = arith.constant 80 : i32
    %mul3A_21 = arith.muli %add3A, %mul3A_20 : i32
    "tpu.region"() ({
      %run_scoped3A = tpu.sem_alloc : memref<!tpu.dma_semaphore, #tpu.memory_space<semaphore_mem>>
      %dma_start3A = arith.constant 0 : i32
      %dma_start3A_34 = tpu.memref_slice %arg4[%mul3A_21, %dma_start3A] : memref<2560x128xi32, #tpu.memory_space<hbm>> -> memref<80x128xi32, #tpu.memory_space<hbm>>
      %dma_start3A_35 = arith.constant 0 : i32
      %dma_start3A_36 = tpu.memref_slice %arg4[%mul3A_21, %dma_start3A_35] : memref<2560x128xi32, #tpu.memory_space<hbm>> -> memref<80x128xi32, #tpu.memory_space<hbm>>
      tpu.enqueue_dma source(%dma_start3A_36 : memref<80x128xi32, #tpu.memory_space<hbm>>) target(%arg7 : memref<80x128xi32, #tpu.memory_space<vmem>>) target_semaphore(%run_scoped3A : memref<!tpu.dma_semaphore, #tpu.memory_space<semaphore_mem>>)
      %dma_wait3A = arith.constant 0 : i32
      %dma_wait3A_37 = tpu.memref_slice %arg4[%mul3A_21, %dma_wait3A] : memref<2560x128xi32, #tpu.memory_space<hbm>> -> memref<80x128xi32, #tpu.memory_space<hbm>>
      %dma_wait3A_38 = arith.constant 0 : i32
      %dma_wait3A_39 = tpu.memref_slice %arg4[%mul3A_21, %dma_wait3A_38] : memref<2560x128xi32, #tpu.memory_space<hbm>> -> memref<80x128xi32, #tpu.memory_space<hbm>>
      tpu.wait_dma2 semaphore(%run_scoped3A : memref<!tpu.dma_semaphore, #tpu.memory_space<semaphore_mem>>) src(%dma_wait3A_39 : memref<80x128xi32, #tpu.memory_space<hbm>>) dst(%arg7 : memref<80x128xi32, #tpu.memory_space<vmem>>)
      tpu.yield
    }) : () -> ()
    %scan3A_22 = arith.constant 0 : i32
    %scan3A_23 = arith.constant 0 : i32
    %scan3A_24 = arith.constant 80 : i32
    %scan3A_25 = arith.addi %scan3A_23, %scan3A_24 : i32
    %scan3A_26 = arith.constant 1 : i32
    %scan3A_27 = scf.for %scan3A_34 = %scan3A_23 to %scan3A_25 step %scan3A_26 iter_args(%scan3A_35 = %scan3A_22) -> (i32)  : i32 {
      "tpu.region"() ({
        %run_scoped3A = tpu.sem_alloc : memref<!tpu.dma_semaphore, #tpu.memory_space<semaphore_mem>>
        %dma_start3A = arith.constant 0 : i32
        %dma_start3A_37 = tpu.memref_slice %arg6[%scan3A_34, %dma_start3A] : memref<80x128xi32, #tpu.memory_space<vmem>> -> memref<1x128xi32, #tpu.memory_space<vmem>>
        %dma_start3A_38 = tpu.memref_squeeze %dma_start3A_37 : memref<1x128xi32, #tpu.memory_space<vmem>> -> memref<128xi32, #tpu.memory_space<vmem>>
        %dma_start3A_39 = arith.constant 0 : i32
        %dma_start3A_40 = arith.constant 0 : i32
        %dma_start3A_41 = tpu.memref_slice %arg9[%dma_start3A_39, %dma_start3A_40] : memref<10000x64xf32, #tpu.memory_space<vmem_shared>> -> memref<10000x64xf32, #tpu.memory_space<vmem_shared>>
        tpu.enqueue_indirect_dma source(%dma_start3A_41 : memref<10000x64xf32, #tpu.memory_space<vmem_shared>>) target(%arg8 : memref<128x64xf32, #tpu.memory_space<vmem>>) offsets(%dma_start3A_38 : memref<128xi32, #tpu.memory_space<vmem>>) semaphore(%run_scoped3A : memref<!tpu.dma_semaphore, #tpu.memory_space<semaphore_mem>>)
        %dma_wait3A = arith.constant 0 : i32
        %dma_wait3A_42 = tpu.memref_slice %arg6[%scan3A_34, %dma_wait3A] : memref<80x128xi32, #tpu.memory_space<vmem>> -> memref<1x128xi32, #tpu.memory_space<vmem>>
        %dma_wait3A_43 = tpu.memref_squeeze %dma_wait3A_42 : memref<1x128xi32, #tpu.memory_space<vmem>> -> memref<128xi32, #tpu.memory_space<vmem>>
        %dma_wait3A_44 = arith.constant 0 : i32
        %dma_wait3A_45 = arith.constant 0 : i32
        %dma_wait3A_46 = tpu.memref_slice %arg9[%dma_wait3A_44, %dma_wait3A_45] : memref<10000x64xf32, #tpu.memory_space<vmem_shared>> -> memref<10000x64xf32, #tpu.memory_space<vmem_shared>>
        tpu.wait_indirect_dma semaphore(%run_scoped3A : memref<!tpu.dma_semaphore, #tpu.memory_space<semaphore_mem>>) src(%dma_wait3A_46 : memref<10000x64xf32, #tpu.memory_space<vmem_shared>>) dst(%arg8 : memref<128x64xf32, #tpu.memory_space<vmem>>)
        tpu.yield
      }) : () -> ()
      "tpu.region"() ({
        %run_scoped3A = tpu.sem_alloc : memref<!tpu.dma_semaphore, #tpu.memory_space<semaphore_mem>>
        %dma_start3A = arith.constant 0 : i32
        %dma_start3A_37 = tpu.memref_slice %arg7[%scan3A_34, %dma_start3A] : memref<80x128xi32, #tpu.memory_space<vmem>> -> memref<1x128xi32, #tpu.memory_space<vmem>>
        %dma_start3A_38 = tpu.memref_squeeze %dma_start3A_37 : memref<1x128xi32, #tpu.memory_space<vmem>> -> memref<128xi32, #tpu.memory_space<vmem>>
        %dma_start3A_39 = arith.constant 0 : i32
        %dma_start3A_40 = arith.constant 0 : i32
        %dma_start3A_41 = tpu.memref_slice %arg10[%dma_start3A_39, %dma_start3A_40] : memref<10240x64xf32, #tpu.memory_space<vmem_shared>> -> memref<10240x64xf32, #tpu.memory_space<vmem_shared>>
        tpu.enqueue_indirect_dma source(%arg8 : memref<128x64xf32, #tpu.memory_space<vmem>>) target(%dma_start3A_41 : memref<10240x64xf32, #tpu.memory_space<vmem_shared>>) offsets(%dma_start3A_38 : memref<128xi32, #tpu.memory_space<vmem>>) semaphore(%run_scoped3A : memref<!tpu.dma_semaphore, #tpu.memory_space<semaphore_mem>>) {add = true}
        %dma_wait3A = arith.constant 0 : i32
        %dma_wait3A_42 = tpu.memref_slice %arg7[%scan3A_34, %dma_wait3A] : memref<80x128xi32, #tpu.memory_space<vmem>> -> memref<1x128xi32, #tpu.memory_space<vmem>>
        %dma_wait3A_43 = tpu.memref_squeeze %dma_wait3A_42 : memref<1x128xi32, #tpu.memory_space<vmem>> -> memref<128xi32, #tpu.memory_space<vmem>>
        %dma_wait3A_44 = arith.constant 0 : i32
        %dma_wait3A_45 = arith.constant 0 : i32
        %dma_wait3A_46 = tpu.memref_slice %arg10[%dma_wait3A_44, %dma_wait3A_45] : memref<10240x64xf32, #tpu.memory_space<vmem_shared>> -> memref<10240x64xf32, #tpu.memory_space<vmem_shared>>
        tpu.wait_indirect_dma semaphore(%run_scoped3A : memref<!tpu.dma_semaphore, #tpu.memory_space<semaphore_mem>>) src(%arg8 : memref<128x64xf32, #tpu.memory_space<vmem>>) dst(%dma_wait3A_46 : memref<10240x64xf32, #tpu.memory_space<vmem_shared>>)
        tpu.yield
      }) : () -> ()
      %scan3A_36 = arith.constant 0 : i32
      scf.yield %scan3A_36 : i32
    }
    %scan3A_28 = arith.constant 80 : i32
    %barrier3A_29 = arith.constant 0 : index
    tpu.barrier barrier_id(%barrier3A_29)
    %mul3A_30 = arith.constant 640 : i32
    %mul3A_31 = arith.muli %mul3A_30, %arg1 : i32
    %mul3A_32 = arith.constant 640 : i32
    %mul3A_33 = arith.muli %mul3A_32, %arg1 : i32
    "tpu.region"() ({
      %run_scoped3A = tpu.sem_alloc : memref<!tpu.dma_semaphore, #tpu.memory_space<semaphore_mem>>
      %dma_start3A = arith.constant 0 : i32
      %dma_start3A_34 = tpu.memref_slice %arg5[%arg0, %mul3A_33, %dma_start3A] : memref<2x10240x64xf32, #tpu.memory_space<hbm>> -> memref<1x640x64xf32, #tpu.memory_space<hbm>>
      %dma_start3A_35 = tpu.memref_squeeze %dma_start3A_34 : memref<1x640x64xf32, #tpu.memory_space<hbm>> -> memref<640x64xf32, #tpu.memory_space<hbm>>
      %dma_start3A_36 = arith.constant 0 : i32
      %dma_start3A_37 = tpu.memref_slice %arg10[%mul3A_31, %dma_start3A_36] : memref<10240x64xf32, #tpu.memory_space<vmem_shared>> -> memref<640x64xf32, #tpu.memory_space<vmem_shared>>
      tpu.enqueue_dma source(%dma_start3A_37 : memref<640x64xf32, #tpu.memory_space<vmem_shared>>) target(%dma_start3A_35 : memref<640x64xf32, #tpu.memory_space<hbm>>) target_semaphore(%run_scoped3A : memref<!tpu.dma_semaphore, #tpu.memory_space<semaphore_mem>>)
      %dma_wait3A = arith.constant 0 : i32
      %dma_wait3A_38 = tpu.memref_slice %arg5[%arg0, %mul3A_33, %dma_wait3A] : memref<2x10240x64xf32, #tpu.memory_space<hbm>> -> memref<1x640x64xf32, #tpu.memory_space<hbm>>
      %dma_wait3A_39 = tpu.memref_squeeze %dma_wait3A_38 : memref<1x640x64xf32, #tpu.memory_space<hbm>> -> memref<640x64xf32, #tpu.memory_space<hbm>>
      %dma_wait3A_40 = arith.constant 0 : i32
      %dma_wait3A_41 = tpu.memref_slice %arg10[%mul3A_31, %dma_wait3A_40] : memref<10240x64xf32, #tpu.memory_space<vmem_shared>> -> memref<640x64xf32, #tpu.memory_space<vmem_shared>>
      tpu.wait_dma2 semaphore(%run_scoped3A : memref<!tpu.dma_semaphore, #tpu.memory_space<semaphore_mem>>) src(%dma_wait3A_41 : memref<640x64xf32, #tpu.memory_space<vmem_shared>>) dst(%dma_wait3A_39 : memref<640x64xf32, #tpu.memory_space<hbm>>)
      tpu.yield
    }) : () -> ()
    return
  }
}

#map = affine_map<(d0, d1) -> (0, 0)>
#map1 = affine_map<(d0, d1) -> (0, 0, 0)>
module attributes {stable_mosaic.version = 14 : i64} {
  func.func @body(%arg0: i32, %arg1: i32, %arg2: memref<10000x32xf32, #tpu.memory_space<hbm>>, %arg3: memref<2560x128xi32, #tpu.memory_space<hbm>>, %arg4: memref<2560x128xi32, #tpu.memory_space<hbm>>, %arg5: memref<2x10240x32xf32, #tpu.memory_space<hbm>>, %arg6: memref<80x128xi32, #tpu.memory_space<vmem>>, %arg7: memref<80x128xi32, #tpu.memory_space<vmem>>, %arg8: memref<128x32xf32, #tpu.memory_space<vmem>>, %arg9: memref<10000x32xf32, #tpu.memory_space<vmem_shared>>, %arg10: memref<10240x32xf32, #tpu.memory_space<vmem_shared>>, %arg11: memref<!tpu.dma_semaphore, #tpu.memory_space<semaphore_mem>>) attributes {dimension_semantics = [#tpu.dimension_semantics<core_parallel>, #tpu.dimension_semantics<subcore_parallel>], iteration_bounds = array<i64: 2, 16>, scalar_prefetch = 0 : i64, scratch_operands = 6 : i64, tpu.core_type = #tpu.core_type<sc_vector_subcore>, window_params = [{transform_indices = #map}, {transform_indices = #map}, {transform_indices = #map}, {transform_indices = #map1}]} {
    %mul3A = arith.constant 16 : i32
    %mul3A_0 = arith.muli %arg0, %mul3A : i32
    %add3A = arith.addi %mul3A_0, %arg1 : i32
    %scan3A = arith.constant 0 : i32
    %scan3A_1 = arith.constant 0 : i32
    %scan3A_2 = arith.constant 128 : i32
    %scan3A_3 = arith.addi %scan3A_1, %scan3A_2 : i32
    %scan3A_4 = arith.constant 1 : i32
    %scan3A_5 = scf.for %scan3A_34 = %scan3A_1 to %scan3A_3 step %scan3A_4 iter_args(%scan3A_35 = %scan3A) -> (i32)  : i32 {
      %broadcast_in_dim3A = arith.constant 0.000000e+00 : f32
      %broadcast_in_dim3A_36 = vector.broadcast %broadcast_in_dim3A : f32 to vector<16xf32>
      %swap3A = arith.index_cast %scan3A_34 : i32 to index
      %swap3A_37 = arith.constant 0 : index
      %swap3A_38 = tpu.vector_load %arg8[%swap3A, %swap3A_37] {strides = array<i32>} : memref<128x32xf32, #tpu.memory_space<vmem>>, vector<1x16xf32>,
      %swap3A_39 = vector.shape_cast %swap3A_38 : vector<1x16xf32> to vector<16xf32>
      %swap3A_40 = vector.shape_cast %broadcast_in_dim3A_36 : vector<16xf32> to vector<1x16xf32>
      tpu.vector_store %arg8[%swap3A, %swap3A_37], %swap3A_40 {strides = array<i32>} : memref<128x32xf32, #tpu.memory_space<vmem>>, vector<1x16xf32>,
      %broadcast_in_dim3A_41 = arith.constant 0.000000e+00 : f32
      %broadcast_in_dim3A_42 = vector.broadcast %broadcast_in_dim3A_41 : f32 to vector<16xf32>
      %swap3A_43 = arith.index_cast %scan3A_34 : i32 to index
      %swap3A_44 = arith.constant 16 : index
      %swap3A_45 = tpu.vector_load %arg8[%swap3A_43, %swap3A_44] {strides = array<i32>} : memref<128x32xf32, #tpu.memory_space<vmem>>, vector<1x16xf32>,
      %swap3A_46 = vector.shape_cast %swap3A_45 : vector<1x16xf32> to vector<16xf32>
      %swap3A_47 = vector.shape_cast %broadcast_in_dim3A_42 : vector<16xf32> to vector<1x16xf32>
      tpu.vector_store %arg8[%swap3A_43, %swap3A_44], %swap3A_47 {strides = array<i32>} : memref<128x32xf32, #tpu.memory_space<vmem>>, vector<1x16xf32>,
      %scan3A_48 = arith.constant 0 : i32
      scf.yield %scan3A_48 : i32
    }
    %scan3A_6 = arith.constant 128 : i32
    %scan3A_7 = arith.constant 0 : i32
    %scan3A_8 = arith.constant 0 : i32
    %scan3A_9 = arith.constant 5 : i32
    %scan3A_10 = arith.addi %scan3A_8, %scan3A_9 : i32
    %scan3A_11 = arith.constant 1 : i32
    %scan3A_12 = scf.for %scan3A_34 = %scan3A_8 to %scan3A_10 step %scan3A_11 iter_args(%scan3A_35 = %scan3A_7) -> (i32)  : i32 {
      %mul3A_36 = arith.constant 640 : i32
      %mul3A_37 = arith.muli %mul3A_36, %arg1 : i32
      %mul3A_38 = arith.constant 128 : i32
      %mul3A_39 = arith.muli %mul3A_38, %scan3A_34 : i32
      %add3A_40 = arith.addi %mul3A_37, %mul3A_39 : i32
      "tpu.region"() ({
        %run_scoped3A = tpu.sem_alloc : memref<!tpu.dma_semaphore, #tpu.memory_space<semaphore_mem>>
        %dma_start3A = arith.constant 0 : i32
        %dma_start3A_42 = tpu.memref_slice %arg10[%add3A_40, %dma_start3A] : memref<10240x32xf32, #tpu.memory_space<vmem_shared>> -> memref<128x32xf32, #tpu.memory_space<vmem_shared>>
        %dma_start3A_43 = arith.constant 0 : i32
        %dma_start3A_44 = tpu.memref_slice %arg10[%add3A_40, %dma_start3A_43] : memref<10240x32xf32, #tpu.memory_space<vmem_shared>> -> memref<128x32xf32, #tpu.memory_space<vmem_shared>>
        tpu.enqueue_dma source(%arg8 : memref<128x32xf32, #tpu.memory_space<vmem>>) target(%dma_start3A_44 : memref<128x32xf32, #tpu.memory_space<vmem_shared>>) target_semaphore(%run_scoped3A : memref<!tpu.dma_semaphore, #tpu.memory_space<semaphore_mem>>)
        %dma_wait3A = arith.constant 0 : i32
        %dma_wait3A_45 = tpu.memref_slice %arg10[%add3A_40, %dma_wait3A] : memref<10240x32xf32, #tpu.memory_space<vmem_shared>> -> memref<128x32xf32, #tpu.memory_space<vmem_shared>>
        %dma_wait3A_46 = arith.constant 0 : i32
        %dma_wait3A_47 = tpu.memref_slice %arg10[%add3A_40, %dma_wait3A_46] : memref<10240x32xf32, #tpu.memory_space<vmem_shared>> -> memref<128x32xf32, #tpu.memory_space<vmem_shared>>
        tpu.wait_dma2 semaphore(%run_scoped3A : memref<!tpu.dma_semaphore, #tpu.memory_space<semaphore_mem>>) src(%arg8 : memref<128x32xf32, #tpu.memory_space<vmem>>) dst(%dma_wait3A_47 : memref<128x32xf32, #tpu.memory_space<vmem_shared>>)
        tpu.yield
      }) : () -> ()
      %scan3A_41 = arith.constant 0 : i32
      scf.yield %scan3A_41 : i32
    }
    %scan3A_13 = arith.constant 5 : i32
    %mul3A_14 = arith.constant 625 : i32
    %mul3A_15 = arith.muli %mul3A_14, %arg1 : i32
    %mul3A_16 = arith.constant 625 : i32
    %mul3A_17 = arith.muli %mul3A_16, %arg1 : i32
    "tpu.region"() ({
      %run_scoped3A = tpu.sem_alloc : memref<!tpu.dma_semaphore, #tpu.memory_space<semaphore_mem>>
      %dma_start3A = arith.constant 0 : i32
      %dma_start3A_34 = tpu.memref_slice %arg9[%mul3A_17, %dma_start3A] : memref<10000x32xf32, #tpu.memory_space<vmem_shared>> -> memref<625x32xf32, #tpu.memory_space<vmem_shared>>
      %dma_start3A_35 = arith.constant 0 : i32
      %dma_start3A_36 = tpu.memref_slice %arg2[%mul3A_15, %dma_start3A_35] : memref<10000x32xf32, #tpu.memory_space<hbm>> -> memref<625x32xf32, #tpu.memory_space<hbm>>
      tpu.enqueue_dma source(%dma_start3A_36 : memref<625x32xf32, #tpu.memory_space<hbm>>) target(%dma_start3A_34 : memref<625x32xf32, #tpu.memory_space<vmem_shared>>) target_semaphore(%run_scoped3A : memref<!tpu.dma_semaphore, #tpu.memory_space<semaphore_mem>>)
      %dma_wait3A = arith.constant 0 : i32
      %dma_wait3A_37 = tpu.memref_slice %arg9[%mul3A_17, %dma_wait3A] : memref<10000x32xf32, #tpu.memory_space<vmem_shared>> -> memref<625x32xf32, #tpu.memory_space<vmem_shared>>
      %dma_wait3A_38 = arith.constant 0 : i32
      %dma_wait3A_39 = tpu.memref_slice %arg2[%mul3A_15, %dma_wait3A_38] : memref<10000x32xf32, #tpu.memory_space<hbm>> -> memref<625x32xf32, #tpu.memory_space<hbm>>
      tpu.wait_dma2 semaphore(%run_scoped3A : memref<!tpu.dma_semaphore, #tpu.memory_space<semaphore_mem>>) src(%dma_wait3A_39 : memref<625x32xf32, #tpu.memory_space<hbm>>) dst(%dma_wait3A_37 : memref<625x32xf32, #tpu.memory_space<vmem_shared>>)
      tpu.yield
    }) : () -> ()
    %barrier3A = arith.constant 0 : index
    tpu.barrier barrier_id(%barrier3A)
    %mul3A_18 = arith.constant 80 : i32
    %mul3A_19 = arith.muli %add3A, %mul3A_18 : i32
    "tpu.region"() ({
      %run_scoped3A = tpu.sem_alloc : memref<!tpu.dma_semaphore, #tpu.memory_space<semaphore_mem>>
      %dma_start3A = arith.constant 0 : i32
      %dma_start3A_34 = tpu.memref_slice %arg3[%mul3A_19, %dma_start3A] : memref<2560x128xi32, #tpu.memory_space<hbm>> -> memref<80x128xi32, #tpu.memory_space<hbm>>
      %dma_start3A_35 = arith.constant 0 : i32
      %dma_start3A_36 = tpu.memref_slice %arg3[%mul3A_19, %dma_start3A_35] : memref<2560x128xi32, #tpu.memory_space<hbm>> -> memref<80x128xi32, #tpu.memory_space<hbm>>
      tpu.enqueue_dma source(%dma_start3A_36 : memref<80x128xi32, #tpu.memory_space<hbm>>) target(%arg6 : memref<80x128xi32, #tpu.memory_space<vmem>>) target_semaphore(%run_scoped3A : memref<!tpu.dma_semaphore, #tpu.memory_space<semaphore_mem>>)
      %dma_wait3A = arith.constant 0 : i32
      %dma_wait3A_37 = tpu.memref_slice %arg3[%mul3A_19, %dma_wait3A] : memref<2560x128xi32, #tpu.memory_space<hbm>> -> memref<80x128xi32, #tpu.memory_space<hbm>>
      %dma_wait3A_38 = arith.constant 0 : i32
      %dma_wait3A_39 = tpu.memref_slice %arg3[%mul3A_19, %dma_wait3A_38] : memref<2560x128xi32, #tpu.memory_space<hbm>> -> memref<80x128xi32, #tpu.memory_space<hbm>>
      tpu.wait_dma2 semaphore(%run_scoped3A : memref<!tpu.dma_semaphore, #tpu.memory_space<semaphore_mem>>) src(%dma_wait3A_39 : memref<80x128xi32, #tpu.memory_space<hbm>>) dst(%arg6 : memref<80x128xi32, #tpu.memory_space<vmem>>)
      tpu.yield
    }) : () -> ()
    %mul3A_20 = arith.constant 80 : i32
    %mul3A_21 = arith.muli %add3A, %mul3A_20 : i32
    "tpu.region"() ({
      %run_scoped3A = tpu.sem_alloc : memref<!tpu.dma_semaphore, #tpu.memory_space<semaphore_mem>>
      %dma_start3A = arith.constant 0 : i32
      %dma_start3A_34 = tpu.memref_slice %arg4[%mul3A_21, %dma_start3A] : memref<2560x128xi32, #tpu.memory_space<hbm>> -> memref<80x128xi32, #tpu.memory_space<hbm>>
      %dma_start3A_35 = arith.constant 0 : i32
      %dma_start3A_36 = tpu.memref_slice %arg4[%mul3A_21, %dma_start3A_35] : memref<2560x128xi32, #tpu.memory_space<hbm>> -> memref<80x128xi32, #tpu.memory_space<hbm>>
      tpu.enqueue_dma source(%dma_start3A_36 : memref<80x128xi32, #tpu.memory_space<hbm>>) target(%arg7 : memref<80x128xi32, #tpu.memory_space<vmem>>) target_semaphore(%run_scoped3A : memref<!tpu.dma_semaphore, #tpu.memory_space<semaphore_mem>>)
      %dma_wait3A = arith.constant 0 : i32
      %dma_wait3A_37 = tpu.memref_slice %arg4[%mul3A_21, %dma_wait3A] : memref<2560x128xi32, #tpu.memory_space<hbm>> -> memref<80x128xi32, #tpu.memory_space<hbm>>
      %dma_wait3A_38 = arith.constant 0 : i32
      %dma_wait3A_39 = tpu.memref_slice %arg4[%mul3A_21, %dma_wait3A_38] : memref<2560x128xi32, #tpu.memory_space<hbm>> -> memref<80x128xi32, #tpu.memory_space<hbm>>
      tpu.wait_dma2 semaphore(%run_scoped3A : memref<!tpu.dma_semaphore, #tpu.memory_space<semaphore_mem>>) src(%dma_wait3A_39 : memref<80x128xi32, #tpu.memory_space<hbm>>) dst(%arg7 : memref<80x128xi32, #tpu.memory_space<vmem>>)
      tpu.yield
    }) : () -> ()
    %scan3A_22 = arith.constant 0 : i32
    %scan3A_23 = arith.constant 0 : i32
    %scan3A_24 = arith.constant 80 : i32
    %scan3A_25 = arith.addi %scan3A_23, %scan3A_24 : i32
    %scan3A_26 = arith.constant 1 : i32
    %scan3A_27 = scf.for %scan3A_34 = %scan3A_23 to %scan3A_25 step %scan3A_26 iter_args(%scan3A_35 = %scan3A_22) -> (i32)  : i32 {
      "tpu.region"() ({
        %run_scoped3A = tpu.sem_alloc : memref<!tpu.dma_semaphore, #tpu.memory_space<semaphore_mem>>
        %dma_start3A = arith.constant 0 : i32
        %dma_start3A_37 = tpu.memref_slice %arg6[%scan3A_34, %dma_start3A] : memref<80x128xi32, #tpu.memory_space<vmem>> -> memref<1x128xi32, #tpu.memory_space<vmem>>
        %dma_start3A_38 = tpu.memref_squeeze %dma_start3A_37 : memref<1x128xi32, #tpu.memory_space<vmem>> -> memref<128xi32, #tpu.memory_space<vmem>>
        %dma_start3A_39 = arith.constant 0 : i32
        %dma_start3A_40 = arith.constant 0 : i32
        %dma_start3A_41 = tpu.memref_slice %arg9[%dma_start3A_39, %dma_start3A_40] : memref<10000x32xf32, #tpu.memory_space<vmem_shared>> -> memref<10000x32xf32, #tpu.memory_space<vmem_shared>>
        tpu.enqueue_indirect_dma source(%dma_start3A_41 : memref<10000x32xf32, #tpu.memory_space<vmem_shared>>) target(%arg8 : memref<128x32xf32, #tpu.memory_space<vmem>>) offsets(%dma_start3A_38 : memref<128xi32, #tpu.memory_space<vmem>>) semaphore(%run_scoped3A : memref<!tpu.dma_semaphore, #tpu.memory_space<semaphore_mem>>)
        %dma_wait3A = arith.constant 0 : i32
        %dma_wait3A_42 = tpu.memref_slice %arg6[%scan3A_34, %dma_wait3A] : memref<80x128xi32, #tpu.memory_space<vmem>> -> memref<1x128xi32, #tpu.memory_space<vmem>>
        %dma_wait3A_43 = tpu.memref_squeeze %dma_wait3A_42 : memref<1x128xi32, #tpu.memory_space<vmem>> -> memref<128xi32, #tpu.memory_space<vmem>>
        %dma_wait3A_44 = arith.constant 0 : i32
        %dma_wait3A_45 = arith.constant 0 : i32
        %dma_wait3A_46 = tpu.memref_slice %arg9[%dma_wait3A_44, %dma_wait3A_45] : memref<10000x32xf32, #tpu.memory_space<vmem_shared>> -> memref<10000x32xf32, #tpu.memory_space<vmem_shared>>
        tpu.wait_indirect_dma semaphore(%run_scoped3A : memref<!tpu.dma_semaphore, #tpu.memory_space<semaphore_mem>>) src(%dma_wait3A_46 : memref<10000x32xf32, #tpu.memory_space<vmem_shared>>) dst(%arg8 : memref<128x32xf32, #tpu.memory_space<vmem>>)
        tpu.yield
      }) : () -> ()
      "tpu.region"() ({
        %run_scoped3A = tpu.sem_alloc : memref<!tpu.dma_semaphore, #tpu.memory_space<semaphore_mem>>
        %dma_start3A = arith.constant 0 : i32
        %dma_start3A_37 = tpu.memref_slice %arg7[%scan3A_34, %dma_start3A] : memref<80x128xi32, #tpu.memory_space<vmem>> -> memref<1x128xi32, #tpu.memory_space<vmem>>
        %dma_start3A_38 = tpu.memref_squeeze %dma_start3A_37 : memref<1x128xi32, #tpu.memory_space<vmem>> -> memref<128xi32, #tpu.memory_space<vmem>>
        %dma_start3A_39 = arith.constant 0 : i32
        %dma_start3A_40 = arith.constant 0 : i32
        %dma_start3A_41 = tpu.memref_slice %arg10[%dma_start3A_39, %dma_start3A_40] : memref<10240x32xf32, #tpu.memory_space<vmem_shared>> -> memref<10240x32xf32, #tpu.memory_space<vmem_shared>>
        tpu.enqueue_indirect_dma source(%arg8 : memref<128x32xf32, #tpu.memory_space<vmem>>) target(%dma_start3A_41 : memref<10240x32xf32, #tpu.memory_space<vmem_shared>>) offsets(%dma_start3A_38 : memref<128xi32, #tpu.memory_space<vmem>>) semaphore(%run_scoped3A : memref<!tpu.dma_semaphore, #tpu.memory_space<semaphore_mem>>) {add = true}
        %dma_wait3A = arith.constant 0 : i32
        %dma_wait3A_42 = tpu.memref_slice %arg7[%scan3A_34, %dma_wait3A] : memref<80x128xi32, #tpu.memory_space<vmem>> -> memref<1x128xi32, #tpu.memory_space<vmem>>
        %dma_wait3A_43 = tpu.memref_squeeze %dma_wait3A_42 : memref<1x128xi32, #tpu.memory_space<vmem>> -> memref<128xi32, #tpu.memory_space<vmem>>
        %dma_wait3A_44 = arith.constant 0 : i32
        %dma_wait3A_45 = arith.constant 0 : i32
        %dma_wait3A_46 = tpu.memref_slice %arg10[%dma_wait3A_44, %dma_wait3A_45] : memref<10240x32xf32, #tpu.memory_space<vmem_shared>> -> memref<10240x32xf32, #tpu.memory_space<vmem_shared>>
        tpu.wait_indirect_dma semaphore(%run_scoped3A : memref<!tpu.dma_semaphore, #tpu.memory_space<semaphore_mem>>) src(%arg8 : memref<128x32xf32, #tpu.memory_space<vmem>>) dst(%dma_wait3A_46 : memref<10240x32xf32, #tpu.memory_space<vmem_shared>>)
        tpu.yield
      }) : () -> ()
      %scan3A_36 = arith.constant 0 : i32
      scf.yield %scan3A_36 : i32
    }
    %scan3A_28 = arith.constant 80 : i32
    %barrier3A_29 = arith.constant 0 : index
    tpu.barrier barrier_id(%barrier3A_29)
    %mul3A_30 = arith.constant 640 : i32
    %mul3A_31 = arith.muli %mul3A_30, %arg1 : i32
    %mul3A_32 = arith.constant 640 : i32
    %mul3A_33 = arith.muli %mul3A_32, %arg1 : i32
    "tpu.region"() ({
      %run_scoped3A = tpu.sem_alloc : memref<!tpu.dma_semaphore, #tpu.memory_space<semaphore_mem>>
      %dma_start3A = arith.constant 0 : i32
      %dma_start3A_34 = tpu.memref_slice %arg5[%arg0, %mul3A_33, %dma_start3A] : memref<2x10240x32xf32, #tpu.memory_space<hbm>> -> memref<1x640x32xf32, #tpu.memory_space<hbm>>
      %dma_start3A_35 = tpu.memref_squeeze %dma_start3A_34 : memref<1x640x32xf32, #tpu.memory_space<hbm>> -> memref<640x32xf32, #tpu.memory_space<hbm>>
      %dma_start3A_36 = arith.constant 0 : i32
      %dma_start3A_37 = tpu.memref_slice %arg10[%mul3A_31, %dma_start3A_36] : memref<10240x32xf32, #tpu.memory_space<vmem_shared>> -> memref<640x32xf32, #tpu.memory_space<vmem_shared>>
      tpu.enqueue_dma source(%dma_start3A_37 : memref<640x32xf32, #tpu.memory_space<vmem_shared>>) target(%dma_start3A_35 : memref<640x32xf32, #tpu.memory_space<hbm>>) target_semaphore(%run_scoped3A : memref<!tpu.dma_semaphore, #tpu.memory_space<semaphore_mem>>)
      %dma_wait3A = arith.constant 0 : i32
      %dma_wait3A_38 = tpu.memref_slice %arg5[%arg0, %mul3A_33, %dma_wait3A] : memref<2x10240x32xf32, #tpu.memory_space<hbm>> -> memref<1x640x32xf32, #tpu.memory_space<hbm>>
      %dma_wait3A_39 = tpu.memref_squeeze %dma_wait3A_38 : memref<1x640x32xf32, #tpu.memory_space<hbm>> -> memref<640x32xf32, #tpu.memory_space<hbm>>
      %dma_wait3A_40 = arith.constant 0 : i32
      %dma_wait3A_41 = tpu.memref_slice %arg10[%mul3A_31, %dma_wait3A_40] : memref<10240x32xf32, #tpu.memory_space<vmem_shared>> -> memref<640x32xf32, #tpu.memory_space<vmem_shared>>
      tpu.wait_dma2 semaphore(%run_scoped3A : memref<!tpu.dma_semaphore, #tpu.memory_space<semaphore_mem>>) src(%dma_wait3A_41 : memref<640x32xf32, #tpu.memory_space<vmem_shared>>) dst(%dma_wait3A_39 : memref<640x32xf32, #tpu.memory_space<hbm>>)
      tpu.yield
    }) : () -> ()
    return
  }
}

#map = affine_map<(d0, d1) -> (0, 0)>
#map1 = affine_map<(d0, d1) -> (0, 0, 0)>
module attributes {stable_mosaic.version = 14 : i64} {
  func.func @body(%arg0: i32, %arg1: i32, %arg2: memref<10000x128xf32, #tpu.memory_space<hbm>>, %arg3: memref<2560x128xi32, #tpu.memory_space<hbm>>, %arg4: memref<2560x128xi32, #tpu.memory_space<hbm>>, %arg5: memref<2x10240x128xf32, #tpu.memory_space<hbm>>, %arg6: memref<80x128xi32, #tpu.memory_space<vmem>>, %arg7: memref<80x128xi32, #tpu.memory_space<vmem>>, %arg8: memref<128x128xf32, #tpu.memory_space<vmem>>, %arg9: memref<10240x128xf32, #tpu.memory_space<vmem_shared>>, %arg10: memref<!tpu.dma_semaphore, #tpu.memory_space<semaphore_mem>>) attributes {dimension_semantics = [#tpu.dimension_semantics<core_parallel>, #tpu.dimension_semantics<subcore_parallel>], iteration_bounds = array<i64: 2, 16>, scalar_prefetch = 0 : i64, scratch_operands = 5 : i64, tpu.core_type = #tpu.core_type<sc_vector_subcore>, window_params = [{transform_indices = #map}, {transform_indices = #map}, {transform_indices = #map}, {transform_indices = #map1}]} {
    %mul3A = arith.constant 16 : i32
    %mul3A_0 = arith.muli %arg0, %mul3A : i32
    %add3A = arith.addi %mul3A_0, %arg1 : i32
    %scan3A = arith.constant 0 : i32
    %scan3A_1 = arith.constant 0 : i32
    %scan3A_2 = arith.constant 128 : i32
    %scan3A_3 = arith.addi %scan3A_1, %scan3A_2 : i32
    %scan3A_4 = arith.constant 1 : i32
    %scan3A_5 = scf.for %scan3A_30 = %scan3A_1 to %scan3A_3 step %scan3A_4 iter_args(%scan3A_31 = %scan3A) -> (i32)  : i32 {
      %broadcast_in_dim3A = arith.constant 0.000000e+00 : f32
      %broadcast_in_dim3A_32 = vector.broadcast %broadcast_in_dim3A : f32 to vector<16xf32>
      %swap3A = arith.index_cast %scan3A_30 : i32 to index
      %swap3A_33 = arith.constant 0 : index
      %swap3A_34 = tpu.vector_load %arg8[%swap3A, %swap3A_33] {strides = array<i32>} : memref<128x128xf32, #tpu.memory_space<vmem>>, vector<1x16xf32>,
      %swap3A_35 = vector.shape_cast %swap3A_34 : vector<1x16xf32> to vector<16xf32>
      %swap3A_36 = vector.shape_cast %broadcast_in_dim3A_32 : vector<16xf32> to vector<1x16xf32>
      tpu.vector_store %arg8[%swap3A, %swap3A_33], %swap3A_36 {strides = array<i32>} : memref<128x128xf32, #tpu.memory_space<vmem>>, vector<1x16xf32>,
      %broadcast_in_dim3A_37 = arith.constant 0.000000e+00 : f32
      %broadcast_in_dim3A_38 = vector.broadcast %broadcast_in_dim3A_37 : f32 to vector<16xf32>
      %swap3A_39 = arith.index_cast %scan3A_30 : i32 to index
      %swap3A_40 = arith.constant 16 : index
      %swap3A_41 = tpu.vector_load %arg8[%swap3A_39, %swap3A_40] {strides = array<i32>} : memref<128x128xf32, #tpu.memory_space<vmem>>, vector<1x16xf32>,
      %swap3A_42 = vector.shape_cast %swap3A_41 : vector<1x16xf32> to vector<16xf32>
      %swap3A_43 = vector.shape_cast %broadcast_in_dim3A_38 : vector<16xf32> to vector<1x16xf32>
      tpu.vector_store %arg8[%swap3A_39, %swap3A_40], %swap3A_43 {strides = array<i32>} : memref<128x128xf32, #tpu.memory_space<vmem>>, vector<1x16xf32>,
      %broadcast_in_dim3A_44 = arith.constant 0.000000e+00 : f32
      %broadcast_in_dim3A_45 = vector.broadcast %broadcast_in_dim3A_44 : f32 to vector<16xf32>
      %swap3A_46 = arith.index_cast %scan3A_30 : i32 to index
      %swap3A_47 = arith.constant 32 : index
      %swap3A_48 = tpu.vector_load %arg8[%swap3A_46, %swap3A_47] {strides = array<i32>} : memref<128x128xf32, #tpu.memory_space<vmem>>, vector<1x16xf32>,
      %swap3A_49 = vector.shape_cast %swap3A_48 : vector<1x16xf32> to vector<16xf32>
      %swap3A_50 = vector.shape_cast %broadcast_in_dim3A_45 : vector<16xf32> to vector<1x16xf32>
      tpu.vector_store %arg8[%swap3A_46, %swap3A_47], %swap3A_50 {strides = array<i32>} : memref<128x128xf32, #tpu.memory_space<vmem>>, vector<1x16xf32>,
      %broadcast_in_dim3A_51 = arith.constant 0.000000e+00 : f32
      %broadcast_in_dim3A_52 = vector.broadcast %broadcast_in_dim3A_51 : f32 to vector<16xf32>
      %swap3A_53 = arith.index_cast %scan3A_30 : i32 to index
      %swap3A_54 = arith.constant 48 : index
      %swap3A_55 = tpu.vector_load %arg8[%swap3A_53, %swap3A_54] {strides = array<i32>} : memref<128x128xf32, #tpu.memory_space<vmem>>, vector<1x16xf32>,
      %swap3A_56 = vector.shape_cast %swap3A_55 : vector<1x16xf32> to vector<16xf32>
      %swap3A_57 = vector.shape_cast %broadcast_in_dim3A_52 : vector<16xf32> to vector<1x16xf32>
      tpu.vector_store %arg8[%swap3A_53, %swap3A_54], %swap3A_57 {strides = array<i32>} : memref<128x128xf32, #tpu.memory_space<vmem>>, vector<1x16xf32>,
      %broadcast_in_dim3A_58 = arith.constant 0.000000e+00 : f32
      %broadcast_in_dim3A_59 = vector.broadcast %broadcast_in_dim3A_58 : f32 to vector<16xf32>
      %swap3A_60 = arith.index_cast %scan3A_30 : i32 to index
      %swap3A_61 = arith.constant 64 : index
      %swap3A_62 = tpu.vector_load %arg8[%swap3A_60, %swap3A_61] {strides = array<i32>} : memref<128x128xf32, #tpu.memory_space<vmem>>, vector<1x16xf32>,
      %swap3A_63 = vector.shape_cast %swap3A_62 : vector<1x16xf32> to vector<16xf32>
      %swap3A_64 = vector.shape_cast %broadcast_in_dim3A_59 : vector<16xf32> to vector<1x16xf32>
      tpu.vector_store %arg8[%swap3A_60, %swap3A_61], %swap3A_64 {strides = array<i32>} : memref<128x128xf32, #tpu.memory_space<vmem>>, vector<1x16xf32>,
      %broadcast_in_dim3A_65 = arith.constant 0.000000e+00 : f32
      %broadcast_in_dim3A_66 = vector.broadcast %broadcast_in_dim3A_65 : f32 to vector<16xf32>
      %swap3A_67 = arith.index_cast %scan3A_30 : i32 to index
      %swap3A_68 = arith.constant 80 : index
      %swap3A_69 = tpu.vector_load %arg8[%swap3A_67, %swap3A_68] {strides = array<i32>} : memref<128x128xf32, #tpu.memory_space<vmem>>, vector<1x16xf32>,
      %swap3A_70 = vector.shape_cast %swap3A_69 : vector<1x16xf32> to vector<16xf32>
      %swap3A_71 = vector.shape_cast %broadcast_in_dim3A_66 : vector<16xf32> to vector<1x16xf32>
      tpu.vector_store %arg8[%swap3A_67, %swap3A_68], %swap3A_71 {strides = array<i32>} : memref<128x128xf32, #tpu.memory_space<vmem>>, vector<1x16xf32>,
      %broadcast_in_dim3A_72 = arith.constant 0.000000e+00 : f32
      %broadcast_in_dim3A_73 = vector.broadcast %broadcast_in_dim3A_72 : f32 to vector<16xf32>
      %swap3A_74 = arith.index_cast %scan3A_30 : i32 to index
      %swap3A_75 = arith.constant 96 : index
      %swap3A_76 = tpu.vector_load %arg8[%swap3A_74, %swap3A_75] {strides = array<i32>} : memref<128x128xf32, #tpu.memory_space<vmem>>, vector<1x16xf32>,
      %swap3A_77 = vector.shape_cast %swap3A_76 : vector<1x16xf32> to vector<16xf32>
      %swap3A_78 = vector.shape_cast %broadcast_in_dim3A_73 : vector<16xf32> to vector<1x16xf32>
      tpu.vector_store %arg8[%swap3A_74, %swap3A_75], %swap3A_78 {strides = array<i32>} : memref<128x128xf32, #tpu.memory_space<vmem>>, vector<1x16xf32>,
      %broadcast_in_dim3A_79 = arith.constant 0.000000e+00 : f32
      %broadcast_in_dim3A_80 = vector.broadcast %broadcast_in_dim3A_79 : f32 to vector<16xf32>
      %swap3A_81 = arith.index_cast %scan3A_30 : i32 to index
      %swap3A_82 = arith.constant 112 : index
      %swap3A_83 = tpu.vector_load %arg8[%swap3A_81, %swap3A_82] {strides = array<i32>} : memref<128x128xf32, #tpu.memory_space<vmem>>, vector<1x16xf32>,
      %swap3A_84 = vector.shape_cast %swap3A_83 : vector<1x16xf32> to vector<16xf32>
      %swap3A_85 = vector.shape_cast %broadcast_in_dim3A_80 : vector<16xf32> to vector<1x16xf32>
      tpu.vector_store %arg8[%swap3A_81, %swap3A_82], %swap3A_85 {strides = array<i32>} : memref<128x128xf32, #tpu.memory_space<vmem>>, vector<1x16xf32>,
      %scan3A_86 = arith.constant 0 : i32
      scf.yield %scan3A_86 : i32
    }
    %scan3A_6 = arith.constant 128 : i32
    %scan3A_7 = arith.constant 0 : i32
    %scan3A_8 = arith.constant 0 : i32
    %scan3A_9 = arith.constant 5 : i32
    %scan3A_10 = arith.addi %scan3A_8, %scan3A_9 : i32
    %scan3A_11 = arith.constant 1 : i32
    %scan3A_12 = scf.for %scan3A_30 = %scan3A_8 to %scan3A_10 step %scan3A_11 iter_args(%scan3A_31 = %scan3A_7) -> (i32)  : i32 {
      %mul3A_32 = arith.constant 640 : i32
      %mul3A_33 = arith.muli %mul3A_32, %arg1 : i32
      %mul3A_34 = arith.constant 128 : i32
      %mul3A_35 = arith.muli %mul3A_34, %scan3A_30 : i32
      %add3A_36 = arith.addi %mul3A_33, %mul3A_35 : i32
      "tpu.region"() ({
        %run_scoped3A = tpu.sem_alloc : memref<!tpu.dma_semaphore, #tpu.memory_space<semaphore_mem>>
        %dma_start3A = arith.constant 0 : i32
        %dma_start3A_38 = tpu.memref_slice %arg9[%add3A_36, %dma_start3A] : memref<10240x128xf32, #tpu.memory_space<vmem_shared>> -> memref<128x128xf32, #tpu.memory_space<vmem_shared>>
        %dma_start3A_39 = arith.constant 0 : i32
        %dma_start3A_40 = tpu.memref_slice %arg9[%add3A_36, %dma_start3A_39] : memref<10240x128xf32, #tpu.memory_space<vmem_shared>> -> memref<128x128xf32, #tpu.memory_space<vmem_shared>>
        tpu.enqueue_dma source(%arg8 : memref<128x128xf32, #tpu.memory_space<vmem>>) target(%dma_start3A_40 : memref<128x128xf32, #tpu.memory_space<vmem_shared>>) target_semaphore(%run_scoped3A : memref<!tpu.dma_semaphore, #tpu.memory_space<semaphore_mem>>)
        %dma_wait3A = arith.constant 0 : i32
        %dma_wait3A_41 = tpu.memref_slice %arg9[%add3A_36, %dma_wait3A] : memref<10240x128xf32, #tpu.memory_space<vmem_shared>> -> memref<128x128xf32, #tpu.memory_space<vmem_shared>>
        %dma_wait3A_42 = arith.constant 0 : i32
        %dma_wait3A_43 = tpu.memref_slice %arg9[%add3A_36, %dma_wait3A_42] : memref<10240x128xf32, #tpu.memory_space<vmem_shared>> -> memref<128x128xf32, #tpu.memory_space<vmem_shared>>
        tpu.wait_dma2 semaphore(%run_scoped3A : memref<!tpu.dma_semaphore, #tpu.memory_space<semaphore_mem>>) src(%arg8 : memref<128x128xf32, #tpu.memory_space<vmem>>) dst(%dma_wait3A_43 : memref<128x128xf32, #tpu.memory_space<vmem_shared>>)
        tpu.yield
      }) : () -> ()
      %scan3A_37 = arith.constant 0 : i32
      scf.yield %scan3A_37 : i32
    }
    %scan3A_13 = arith.constant 5 : i32
    %barrier3A = arith.constant 0 : index
    tpu.barrier barrier_id(%barrier3A)
    %mul3A_14 = arith.constant 80 : i32
    %mul3A_15 = arith.muli %add3A, %mul3A_14 : i32
    "tpu.region"() ({
      %run_scoped3A = tpu.sem_alloc : memref<!tpu.dma_semaphore, #tpu.memory_space<semaphore_mem>>
      %dma_start3A = arith.constant 0 : i32
      %dma_start3A_30 = tpu.memref_slice %arg3[%mul3A_15, %dma_start3A] : memref<2560x128xi32, #tpu.memory_space<hbm>> -> memref<80x128xi32, #tpu.memory_space<hbm>>
      %dma_start3A_31 = arith.constant 0 : i32
      %dma_start3A_32 = tpu.memref_slice %arg3[%mul3A_15, %dma_start3A_31] : memref<2560x128xi32, #tpu.memory_space<hbm>> -> memref<80x128xi32, #tpu.memory_space<hbm>>
      tpu.enqueue_dma source(%dma_start3A_32 : memref<80x128xi32, #tpu.memory_space<hbm>>) target(%arg6 : memref<80x128xi32, #tpu.memory_space<vmem>>) target_semaphore(%run_scoped3A : memref<!tpu.dma_semaphore, #tpu.memory_space<semaphore_mem>>)
      %dma_wait3A = arith.constant 0 : i32
      %dma_wait3A_33 = tpu.memref_slice %arg3[%mul3A_15, %dma_wait3A] : memref<2560x128xi32, #tpu.memory_space<hbm>> -> memref<80x128xi32, #tpu.memory_space<hbm>>
      %dma_wait3A_34 = arith.constant 0 : i32
      %dma_wait3A_35 = tpu.memref_slice %arg3[%mul3A_15, %dma_wait3A_34] : memref<2560x128xi32, #tpu.memory_space<hbm>> -> memref<80x128xi32, #tpu.memory_space<hbm>>
      tpu.wait_dma2 semaphore(%run_scoped3A : memref<!tpu.dma_semaphore, #tpu.memory_space<semaphore_mem>>) src(%dma_wait3A_35 : memref<80x128xi32, #tpu.memory_space<hbm>>) dst(%arg6 : memref<80x128xi32, #tpu.memory_space<vmem>>)
      tpu.yield
    }) : () -> ()
    %mul3A_16 = arith.constant 80 : i32
    %mul3A_17 = arith.muli %add3A, %mul3A_16 : i32
    "tpu.region"() ({
      %run_scoped3A = tpu.sem_alloc : memref<!tpu.dma_semaphore, #tpu.memory_space<semaphore_mem>>
      %dma_start3A = arith.constant 0 : i32
      %dma_start3A_30 = tpu.memref_slice %arg4[%mul3A_17, %dma_start3A] : memref<2560x128xi32, #tpu.memory_space<hbm>> -> memref<80x128xi32, #tpu.memory_space<hbm>>
      %dma_start3A_31 = arith.constant 0 : i32
      %dma_start3A_32 = tpu.memref_slice %arg4[%mul3A_17, %dma_start3A_31] : memref<2560x128xi32, #tpu.memory_space<hbm>> -> memref<80x128xi32, #tpu.memory_space<hbm>>
      tpu.enqueue_dma source(%dma_start3A_32 : memref<80x128xi32, #tpu.memory_space<hbm>>) target(%arg7 : memref<80x128xi32, #tpu.memory_space<vmem>>) target_semaphore(%run_scoped3A : memref<!tpu.dma_semaphore, #tpu.memory_space<semaphore_mem>>)
      %dma_wait3A = arith.constant 0 : i32
      %dma_wait3A_33 = tpu.memref_slice %arg4[%mul3A_17, %dma_wait3A] : memref<2560x128xi32, #tpu.memory_space<hbm>> -> memref<80x128xi32, #tpu.memory_space<hbm>>
      %dma_wait3A_34 = arith.constant 0 : i32
      %dma_wait3A_35 = tpu.memref_slice %arg4[%mul3A_17, %dma_wait3A_34] : memref<2560x128xi32, #tpu.memory_space<hbm>> -> memref<80x128xi32, #tpu.memory_space<hbm>>
      tpu.wait_dma2 semaphore(%run_scoped3A : memref<!tpu.dma_semaphore, #tpu.memory_space<semaphore_mem>>) src(%dma_wait3A_35 : memref<80x128xi32, #tpu.memory_space<hbm>>) dst(%arg7 : memref<80x128xi32, #tpu.memory_space<vmem>>)
      tpu.yield
    }) : () -> ()
    %scan3A_18 = arith.constant 0 : i32
    %scan3A_19 = arith.constant 0 : i32
    %scan3A_20 = arith.constant 80 : i32
    %scan3A_21 = arith.addi %scan3A_19, %scan3A_20 : i32
    %scan3A_22 = arith.constant 1 : i32
    %scan3A_23 = scf.for %scan3A_30 = %scan3A_19 to %scan3A_21 step %scan3A_22 iter_args(%scan3A_31 = %scan3A_18) -> (i32)  : i32 {
      "tpu.region"() ({
        %run_scoped3A = tpu.sem_alloc : memref<!tpu.dma_semaphore, #tpu.memory_space<semaphore_mem>>
        %dma_start3A = arith.constant 0 : i32
        %dma_start3A_33 = tpu.memref_slice %arg6[%scan3A_30, %dma_start3A] : memref<80x128xi32, #tpu.memory_space<vmem>> -> memref<1x128xi32, #tpu.memory_space<vmem>>
        %dma_start3A_34 = tpu.memref_squeeze %dma_start3A_33 : memref<1x128xi32, #tpu.memory_space<vmem>> -> memref<128xi32, #tpu.memory_space<vmem>>
        %dma_start3A_35 = arith.constant 0 : i32
        %dma_start3A_36 = arith.constant 0 : i32
        %dma_start3A_37 = tpu.memref_slice %arg2[%dma_start3A_35, %dma_start3A_36] : memref<10000x128xf32, #tpu.memory_space<hbm>> -> memref<10000x128xf32, #tpu.memory_space<hbm>>
        tpu.enqueue_indirect_dma source(%dma_start3A_37 : memref<10000x128xf32, #tpu.memory_space<hbm>>) target(%arg8 : memref<128x128xf32, #tpu.memory_space<vmem>>) offsets(%dma_start3A_34 : memref<128xi32, #tpu.memory_space<vmem>>) semaphore(%run_scoped3A : memref<!tpu.dma_semaphore, #tpu.memory_space<semaphore_mem>>)
        %dma_wait3A = arith.constant 0 : i32
        %dma_wait3A_38 = tpu.memref_slice %arg6[%scan3A_30, %dma_wait3A] : memref<80x128xi32, #tpu.memory_space<vmem>> -> memref<1x128xi32, #tpu.memory_space<vmem>>
        %dma_wait3A_39 = tpu.memref_squeeze %dma_wait3A_38 : memref<1x128xi32, #tpu.memory_space<vmem>> -> memref<128xi32, #tpu.memory_space<vmem>>
        %dma_wait3A_40 = arith.constant 0 : i32
        %dma_wait3A_41 = arith.constant 0 : i32
        %dma_wait3A_42 = tpu.memref_slice %arg2[%dma_wait3A_40, %dma_wait3A_41] : memref<10000x128xf32, #tpu.memory_space<hbm>> -> memref<10000x128xf32, #tpu.memory_space<hbm>>
        tpu.wait_indirect_dma semaphore(%run_scoped3A : memref<!tpu.dma_semaphore, #tpu.memory_space<semaphore_mem>>) src(%dma_wait3A_42 : memref<10000x128xf32, #tpu.memory_space<hbm>>) dst(%arg8 : memref<128x128xf32, #tpu.memory_space<vmem>>)
        tpu.yield
      }) : () -> ()
      "tpu.region"() ({
        %run_scoped3A = tpu.sem_alloc : memref<!tpu.dma_semaphore, #tpu.memory_space<semaphore_mem>>
        %dma_start3A = arith.constant 0 : i32
        %dma_start3A_33 = tpu.memref_slice %arg7[%scan3A_30, %dma_start3A] : memref<80x128xi32, #tpu.memory_space<vmem>> -> memref<1x128xi32, #tpu.memory_space<vmem>>
        %dma_start3A_34 = tpu.memref_squeeze %dma_start3A_33 : memref<1x128xi32, #tpu.memory_space<vmem>> -> memref<128xi32, #tpu.memory_space<vmem>>
        %dma_start3A_35 = arith.constant 0 : i32
        %dma_start3A_36 = arith.constant 0 : i32
        %dma_start3A_37 = tpu.memref_slice %arg9[%dma_start3A_35, %dma_start3A_36] : memref<10240x128xf32, #tpu.memory_space<vmem_shared>> -> memref<10240x128xf32, #tpu.memory_space<vmem_shared>>
        tpu.enqueue_indirect_dma source(%arg8 : memref<128x128xf32, #tpu.memory_space<vmem>>) target(%dma_start3A_37 : memref<10240x128xf32, #tpu.memory_space<vmem_shared>>) offsets(%dma_start3A_34 : memref<128xi32, #tpu.memory_space<vmem>>) semaphore(%run_scoped3A : memref<!tpu.dma_semaphore, #tpu.memory_space<semaphore_mem>>) {add = true}
        %dma_wait3A = arith.constant 0 : i32
        %dma_wait3A_38 = tpu.memref_slice %arg7[%scan3A_30, %dma_wait3A] : memref<80x128xi32, #tpu.memory_space<vmem>> -> memref<1x128xi32, #tpu.memory_space<vmem>>
        %dma_wait3A_39 = tpu.memref_squeeze %dma_wait3A_38 : memref<1x128xi32, #tpu.memory_space<vmem>> -> memref<128xi32, #tpu.memory_space<vmem>>
        %dma_wait3A_40 = arith.constant 0 : i32
        %dma_wait3A_41 = arith.constant 0 : i32
        %dma_wait3A_42 = tpu.memref_slice %arg9[%dma_wait3A_40, %dma_wait3A_41] : memref<10240x128xf32, #tpu.memory_space<vmem_shared>> -> memref<10240x128xf32, #tpu.memory_space<vmem_shared>>
        tpu.wait_indirect_dma semaphore(%run_scoped3A : memref<!tpu.dma_semaphore, #tpu.memory_space<semaphore_mem>>) src(%arg8 : memref<128x128xf32, #tpu.memory_space<vmem>>) dst(%dma_wait3A_42 : memref<10240x128xf32, #tpu.memory_space<vmem_shared>>)
        tpu.yield
      }) : () -> ()
      %scan3A_32 = arith.constant 0 : i32
      scf.yield %scan3A_32 : i32
    }
    %scan3A_24 = arith.constant 80 : i32
    %barrier3A_25 = arith.constant 0 : index
    tpu.barrier barrier_id(%barrier3A_25)
    %mul3A_26 = arith.constant 640 : i32
    %mul3A_27 = arith.muli %mul3A_26, %arg1 : i32
    %mul3A_28 = arith.constant 640 : i32
    %mul3A_29 = arith.muli %mul3A_28, %arg1 : i32
    "tpu.region"() ({
      %run_scoped3A = tpu.sem_alloc : memref<!tpu.dma_semaphore, #tpu.memory_space<semaphore_mem>>
      %dma_start3A = arith.constant 0 : i32
      %dma_start3A_30 = tpu.memref_slice %arg5[%arg0, %mul3A_29, %dma_start3A] : memref<2x10240x128xf32, #tpu.memory_space<hbm>> -> memref<1x640x128xf32, #tpu.memory_space<hbm>>
      %dma_start3A_31 = tpu.memref_squeeze %dma_start3A_30 : memref<1x640x128xf32, #tpu.memory_space<hbm>> -> memref<640x128xf32, #tpu.memory_space<hbm>>
      %dma_start3A_32 = arith.constant 0 : i32
      %dma_start3A_33 = tpu.memref_slice %arg9[%mul3A_27, %dma_start3A_32] : memref<10240x128xf32, #tpu.memory_space<vmem_shared>> -> memref<640x128xf32, #tpu.memory_space<vmem_shared>>
      tpu.enqueue_dma source(%dma_start3A_33 : memref<640x128xf32, #tpu.memory_space<vmem_shared>>) target(%dma_start3A_31 : memref<640x128xf32, #tpu.memory_space<hbm>>) target_semaphore(%run_scoped3A : memref<!tpu.dma_semaphore, #tpu.memory_space<semaphore_mem>>)
      %dma_wait3A = arith.constant 0 : i32
      %dma_wait3A_34 = tpu.memref_slice %arg5[%arg0, %mul3A_29, %dma_wait3A] : memref<2x10240x128xf32, #tpu.memory_space<hbm>> -> memref<1x640x128xf32, #tpu.memory_space<hbm>>
      %dma_wait3A_35 = tpu.memref_squeeze %dma_wait3A_34 : memref<1x640x128xf32, #tpu.memory_space<hbm>> -> memref<640x128xf32, #tpu.memory_space<hbm>>
      %dma_wait3A_36 = arith.constant 0 : i32
      %dma_wait3A_37 = tpu.memref_slice %arg9[%mul3A_27, %dma_wait3A_36] : memref<10240x128xf32, #tpu.memory_space<vmem_shared>> -> memref<640x128xf32, #tpu.memory_space<vmem_shared>>
      tpu.wait_dma2 semaphore(%run_scoped3A : memref<!tpu.dma_semaphore, #tpu.memory_space<semaphore_mem>>) src(%dma_wait3A_37 : memref<640x128xf32, #tpu.memory_space<vmem_shared>>) dst(%dma_wait3A_35 : memref<640x128xf32, #tpu.memory_space<hbm>>)
      tpu.yield
    }) : () -> ()
    return
  }
}

module attributes {stable_mosaic.version = 14 : i64} {
  func.func @_mm_scale_body(%arg0: i32, %arg1: memref<2000x128xf32, #tpu.memory_space<vmem>>, %arg2: memref<128x128xf32, #tpu.memory_space<vmem>>, %arg3: memref<2000x1xf32, #tpu.memory_space<vmem>>, %arg4: memref<2000x128xf32, #tpu.memory_space<vmem>>) attributes {dimension_semantics = [#tpu.dimension_semantics<arbitrary>], iteration_bounds = array<i64: 5>, scalar_prefetch = 0 : i64, scratch_operands = 0 : i64, tpu.core_type = #tpu.core_type<tc>, window_params = [{transform_indices = @transform_0, window_bounds = array<i64: 2000, 128>}, {pipeline_mode = #tpu.pipeline_mode<synchronous>, transform_indices = @transform_1, window_bounds = array<i64: 128, 128>}, {transform_indices = @transform_2, window_bounds = array<i64: 2000, 1>}, {transform_indices = @transform_3, window_bounds = array<i64: 2000, 128>}]} {
    %get3A = arith.constant 0 : index
    %get3A_0 = arith.constant 0 : index
    %get3A_1 = vector.load %arg1[%get3A, %get3A_0] : memref<2000x128xf32, #tpu.memory_space<vmem>>, vector<2000x128xf32>
    %get3A_2 = arith.constant 0 : index
    %get3A_3 = arith.constant 0 : index
    %get3A_4 = vector.load %arg2[%get3A_2, %get3A_3] : memref<128x128xf32, #tpu.memory_space<vmem>>, vector<128x128xf32>
    %dot_general3A = arith.constant dense<0.000000e+00> : vector<2000x128xf32>
    %dot_general3A_5 = tpu.matmul %get3A_1, %get3A_4, %dot_general3A {dimension_numbers = #tpu.dot_dimension_numbers<[1], [0], [0], [1], [0, 0, 1, 1], [], []>, transpose_lhs_hint = false} : vector<2000x128xf32>, vector<128x128xf32>, vector<2000x128xf32> -> vector<2000x128xf32>
    %get3A_6 = arith.constant 0 : index
    %get3A_7 = arith.constant 0 : index
    %get3A_8 = vector.load %arg3[%get3A_6, %get3A_7] : memref<2000x1xf32, #tpu.memory_space<vmem>>, vector<2000x1xf32>
    %mul3A = vector.broadcast %get3A_8 : vector<2000x1xf32> to vector<2000x128xf32>
    %mul3A_9 = arith.mulf %dot_general3A_5, %mul3A : vector<2000x128xf32>
    %swap3A = arith.constant 0 : index
    %swap3A_10 = arith.constant 0 : index
    %swap3A_11 = vector.load %arg4[%swap3A, %swap3A_10] : memref<2000x128xf32, #tpu.memory_space<vmem>>, vector<2000x128xf32>
    tpu.vector_store %arg4[%swap3A, %swap3A_10], %mul3A_9 {strides = array<i32>} : memref<2000x128xf32, #tpu.memory_space<vmem>>, vector<2000x128xf32>,
    return
  }
  func.func @transform_0(%arg0: i32) -> (i32, i32) {
    %c0_i32 = arith.constant 0 : i32
    %c0_i32_0 = arith.constant 0 : i32
    return %arg0, %c0_i32 : i32, i32
  }
  func.func @transform_1(%arg0: i32) -> (i32, i32) {
    %c0_i32 = arith.constant 0 : i32
    %c0_i32_0 = arith.constant 0 : i32
    %c0_i32_1 = arith.constant 0 : i32
    return %c0_i32, %c0_i32_0 : i32, i32
  }
  func.func @transform_2(%arg0: i32) -> (i32, i32) {
    %c0_i32 = arith.constant 0 : i32
    %c0_i32_0 = arith.constant 0 : i32
    return %arg0, %c0_i32 : i32, i32
  }
  func.func @transform_3(%arg0: i32) -> (i32, i32) {
    %c0_i32 = arith.constant 0 : i32
    %c0_i32_0 = arith.constant 0 : i32
    return %arg0, %c0_i32 : i32, i32
  }
}

module attributes {stable_mosaic.version = 14 : i64} {
  func.func @_fused_layer_body(%arg0: i32, %arg1: memref<2x2000x128xf32, #tpu.memory_space<vmem>>, %arg2: memref<2000x128xf32, #tpu.memory_space<vmem>>, %arg3: memref<2000x1xf32, #tpu.memory_space<vmem>>, %arg4: memref<1x128xf32, #tpu.memory_space<vmem>>, %arg5: memref<128x64xf32, #tpu.memory_space<vmem>>, %arg6: memref<2000x64xf32, #tpu.memory_space<vmem>>) attributes {dimension_semantics = [#tpu.dimension_semantics<arbitrary>], iteration_bounds = array<i64: 5>, scalar_prefetch = 0 : i64, scratch_operands = 0 : i64, tpu.core_type = #tpu.core_type<tc>, window_params = [{transform_indices = @transform_0, window_bounds = array<i64: 2, 2000, 128>}, {transform_indices = @transform_1, window_bounds = array<i64: 2000, 128>}, {transform_indices = @transform_2, window_bounds = array<i64: 2000, 1>}, {pipeline_mode = #tpu.pipeline_mode<synchronous>, transform_indices = @transform_3, window_bounds = array<i64: 1, 128>}, {pipeline_mode = #tpu.pipeline_mode<synchronous>, transform_indices = @transform_4, window_bounds = array<i64: 128, 64>}, {transform_indices = @transform_5, window_bounds = array<i64: 2000, 64>}]} {
    %get3A = arith.constant 0 : index
    %get3A_0 = arith.constant 0 : index
    %get3A_1 = vector.load %arg3[%get3A, %get3A_0] : memref<2000x1xf32, #tpu.memory_space<vmem>>, vector<2000x1xf32>
    %get3A_2 = arith.constant 0 : index
    %get3A_3 = arith.constant 0 : index
    %get3A_4 = arith.constant 0 : index
    %get3A_5 = vector.load %arg1[%get3A_2, %get3A_3, %get3A_4] : memref<2x2000x128xf32, #tpu.memory_space<vmem>>, vector<1x2000x128xf32>
    %get3A_6 = vector.shape_cast %get3A_5 : vector<1x2000x128xf32> to vector<2000x128xf32>
    %get3A_7 = arith.constant 1 : index
    %get3A_8 = arith.constant 0 : index
    %get3A_9 = arith.constant 0 : index
    %get3A_10 = vector.load %arg1[%get3A_7, %get3A_8, %get3A_9] : memref<2x2000x128xf32, #tpu.memory_space<vmem>>, vector<1x2000x128xf32>
    %get3A_11 = vector.shape_cast %get3A_10 : vector<1x2000x128xf32> to vector<2000x128xf32>
    %add3A = arith.addf %get3A_6, %get3A_11 : vector<2000x128xf32>
    %get3A_12 = arith.constant 0 : index
    %get3A_13 = arith.constant 0 : index
    %get3A_14 = vector.load %arg2[%get3A_12, %get3A_13] : memref<2000x128xf32, #tpu.memory_space<vmem>>, vector<2000x128xf32>
    %add3A_15 = arith.addf %add3A, %get3A_14 : vector<2000x128xf32>
    %mul3A = vector.broadcast %get3A_1 : vector<2000x1xf32> to vector<2000x128xf32>
    %mul3A_16 = arith.mulf %add3A_15, %mul3A : vector<2000x128xf32>
    %get3A_17 = arith.constant 0 : index
    %get3A_18 = arith.constant 0 : index
    %get3A_19 = vector.load %arg4[%get3A_17, %get3A_18] : memref<1x128xf32, #tpu.memory_space<vmem>>, vector<1x128xf32>
    %add3A_20 = vector.broadcast %get3A_19 : vector<1x128xf32> to vector<2000x128xf32>
    %add3A_21 = arith.addf %mul3A_16, %add3A_20 : vector<2000x128xf32>
    %max3A = arith.constant 0.000000e+00 : f32
    %max3A_22 = vector.broadcast %max3A : f32 to vector<2000x128xf32>
    %max3A_23 = arith.maximumf %add3A_21, %max3A_22 : vector<2000x128xf32>
    %get3A_24 = arith.constant 0 : index
    %get3A_25 = arith.constant 0 : index
    %get3A_26 = vector.load %arg5[%get3A_24, %get3A_25] : memref<128x64xf32, #tpu.memory_space<vmem>>, vector<128x64xf32>
    %dot_general3A = arith.constant dense<0.000000e+00> : vector<2000x64xf32>
    %dot_general3A_27 = tpu.matmul %max3A_23, %get3A_26, %dot_general3A {dimension_numbers = #tpu.dot_dimension_numbers<[1], [0], [0], [1], [0, 0, 1, 1], [], []>, transpose_lhs_hint = false} : vector<2000x128xf32>, vector<128x64xf32>, vector<2000x64xf32> -> vector<2000x64xf32>
    %mul3A_28 = vector.broadcast %get3A_1 : vector<2000x1xf32> to vector<2000x64xf32>
    %mul3A_29 = arith.mulf %dot_general3A_27, %mul3A_28 : vector<2000x64xf32>
    %swap3A = arith.constant 0 : index
    %swap3A_30 = arith.constant 0 : index
    %swap3A_31 = vector.load %arg6[%swap3A, %swap3A_30] : memref<2000x64xf32, #tpu.memory_space<vmem>>, vector<2000x64xf32>
    tpu.vector_store %arg6[%swap3A, %swap3A_30], %mul3A_29 {strides = array<i32>} : memref<2000x64xf32, #tpu.memory_space<vmem>>, vector<2000x64xf32>,
    return
  }
  func.func @transform_0(%arg0: i32) -> (i32, i32, i32) {
    %c0_i32 = arith.constant 0 : i32
    %c0_i32_0 = arith.constant 0 : i32
    %c0_i32_1 = arith.constant 0 : i32
    return %c0_i32, %arg0, %c0_i32_0 : i32, i32, i32
  }
  func.func @transform_1(%arg0: i32) -> (i32, i32) {
    %c0_i32 = arith.constant 0 : i32
    %c0_i32_0 = arith.constant 0 : i32
    return %arg0, %c0_i32 : i32, i32
  }
  func.func @transform_2(%arg0: i32) -> (i32, i32) {
    %c0_i32 = arith.constant 0 : i32
    %c0_i32_0 = arith.constant 0 : i32
    return %arg0, %c0_i32 : i32, i32
  }
  func.func @transform_3(%arg0: i32) -> (i32, i32) {
    %c0_i32 = arith.constant 0 : i32
    %c0_i32_0 = arith.constant 0 : i32
    %c0_i32_1 = arith.constant 0 : i32
    return %c0_i32, %c0_i32_0 : i32, i32
  }
  func.func @transform_4(%arg0: i32) -> (i32, i32) {
    %c0_i32 = arith.constant 0 : i32
    %c0_i32_0 = arith.constant 0 : i32
    %c0_i32_1 = arith.constant 0 : i32
    return %c0_i32, %c0_i32_0 : i32, i32
  }
  func.func @transform_5(%arg0: i32) -> (i32, i32) {
    %c0_i32 = arith.constant 0 : i32
    %c0_i32_0 = arith.constant 0 : i32
    return %arg0, %c0_i32 : i32, i32
  }
}

module attributes {stable_mosaic.version = 14 : i64} {
  func.func @_fused_layer_body(%arg0: i32, %arg1: memref<2x2000x64xf32, #tpu.memory_space<vmem>>, %arg2: memref<2000x64xf32, #tpu.memory_space<vmem>>, %arg3: memref<2000x1xf32, #tpu.memory_space<vmem>>, %arg4: memref<1x64xf32, #tpu.memory_space<vmem>>, %arg5: memref<64x32xf32, #tpu.memory_space<vmem>>, %arg6: memref<2000x32xf32, #tpu.memory_space<vmem>>) attributes {dimension_semantics = [#tpu.dimension_semantics<arbitrary>], iteration_bounds = array<i64: 5>, scalar_prefetch = 0 : i64, scratch_operands = 0 : i64, tpu.core_type = #tpu.core_type<tc>, window_params = [{transform_indices = @transform_0, window_bounds = array<i64: 2, 2000, 64>}, {transform_indices = @transform_1, window_bounds = array<i64: 2000, 64>}, {transform_indices = @transform_2, window_bounds = array<i64: 2000, 1>}, {pipeline_mode = #tpu.pipeline_mode<synchronous>, transform_indices = @transform_3, window_bounds = array<i64: 1, 64>}, {pipeline_mode = #tpu.pipeline_mode<synchronous>, transform_indices = @transform_4, window_bounds = array<i64: 64, 32>}, {transform_indices = @transform_5, window_bounds = array<i64: 2000, 32>}]} {
    %get3A = arith.constant 0 : index
    %get3A_0 = arith.constant 0 : index
    %get3A_1 = vector.load %arg3[%get3A, %get3A_0] : memref<2000x1xf32, #tpu.memory_space<vmem>>, vector<2000x1xf32>
    %get3A_2 = arith.constant 0 : index
    %get3A_3 = arith.constant 0 : index
    %get3A_4 = arith.constant 0 : index
    %get3A_5 = vector.load %arg1[%get3A_2, %get3A_3, %get3A_4] : memref<2x2000x64xf32, #tpu.memory_space<vmem>>, vector<1x2000x64xf32>
    %get3A_6 = vector.shape_cast %get3A_5 : vector<1x2000x64xf32> to vector<2000x64xf32>
    %get3A_7 = arith.constant 1 : index
    %get3A_8 = arith.constant 0 : index
    %get3A_9 = arith.constant 0 : index
    %get3A_10 = vector.load %arg1[%get3A_7, %get3A_8, %get3A_9] : memref<2x2000x64xf32, #tpu.memory_space<vmem>>, vector<1x2000x64xf32>
    %get3A_11 = vector.shape_cast %get3A_10 : vector<1x2000x64xf32> to vector<2000x64xf32>
    %add3A = arith.addf %get3A_6, %get3A_11 : vector<2000x64xf32>
    %get3A_12 = arith.constant 0 : index
    %get3A_13 = arith.constant 0 : index
    %get3A_14 = vector.load %arg2[%get3A_12, %get3A_13] : memref<2000x64xf32, #tpu.memory_space<vmem>>, vector<2000x64xf32>
    %add3A_15 = arith.addf %add3A, %get3A_14 : vector<2000x64xf32>
    %mul3A = vector.broadcast %get3A_1 : vector<2000x1xf32> to vector<2000x64xf32>
    %mul3A_16 = arith.mulf %add3A_15, %mul3A : vector<2000x64xf32>
    %get3A_17 = arith.constant 0 : index
    %get3A_18 = arith.constant 0 : index
    %get3A_19 = vector.load %arg4[%get3A_17, %get3A_18] : memref<1x64xf32, #tpu.memory_space<vmem>>, vector<1x64xf32>
    %add3A_20 = vector.broadcast %get3A_19 : vector<1x64xf32> to vector<2000x64xf32>
    %add3A_21 = arith.addf %mul3A_16, %add3A_20 : vector<2000x64xf32>
    %max3A = arith.constant 0.000000e+00 : f32
    %max3A_22 = vector.broadcast %max3A : f32 to vector<2000x64xf32>
    %max3A_23 = arith.maximumf %add3A_21, %max3A_22 : vector<2000x64xf32>
    %get3A_24 = arith.constant 0 : index
    %get3A_25 = arith.constant 0 : index
    %get3A_26 = vector.load %arg5[%get3A_24, %get3A_25] : memref<64x32xf32, #tpu.memory_space<vmem>>, vector<64x32xf32>
    %dot_general3A = arith.constant dense<0.000000e+00> : vector<2000x32xf32>
    %dot_general3A_27 = tpu.matmul %max3A_23, %get3A_26, %dot_general3A {dimension_numbers = #tpu.dot_dimension_numbers<[1], [0], [0], [1], [0, 0, 1, 1], [], []>, transpose_lhs_hint = false} : vector<2000x64xf32>, vector<64x32xf32>, vector<2000x32xf32> -> vector<2000x32xf32>
    %mul3A_28 = vector.broadcast %get3A_1 : vector<2000x1xf32> to vector<2000x32xf32>
    %mul3A_29 = arith.mulf %dot_general3A_27, %mul3A_28 : vector<2000x32xf32>
    %swap3A = arith.constant 0 : index
    %swap3A_30 = arith.constant 0 : index
    %swap3A_31 = vector.load %arg6[%swap3A, %swap3A_30] : memref<2000x32xf32, #tpu.memory_space<vmem>>, vector<2000x32xf32>
    tpu.vector_store %arg6[%swap3A, %swap3A_30], %mul3A_29 {strides = array<i32>} : memref<2000x32xf32, #tpu.memory_space<vmem>>, vector<2000x32xf32>,
    return
  }
  func.func @transform_0(%arg0: i32) -> (i32, i32, i32) {
    %c0_i32 = arith.constant 0 : i32
    %c0_i32_0 = arith.constant 0 : i32
    %c0_i32_1 = arith.constant 0 : i32
    return %c0_i32, %arg0, %c0_i32_0 : i32, i32, i32
  }
  func.func @transform_1(%arg0: i32) -> (i32, i32) {
    %c0_i32 = arith.constant 0 : i32
    %c0_i32_0 = arith.constant 0 : i32
    return %arg0, %c0_i32 : i32, i32
  }
  func.func @transform_2(%arg0: i32) -> (i32, i32) {
    %c0_i32 = arith.constant 0 : i32
    %c0_i32_0 = arith.constant 0 : i32
    return %arg0, %c0_i32 : i32, i32
  }
  func.func @transform_3(%arg0: i32) -> (i32, i32) {
    %c0_i32 = arith.constant 0 : i32
    %c0_i32_0 = arith.constant 0 : i32
    %c0_i32_1 = arith.constant 0 : i32
    return %c0_i32, %c0_i32_0 : i32, i32
  }
  func.func @transform_4(%arg0: i32) -> (i32, i32) {
    %c0_i32 = arith.constant 0 : i32
    %c0_i32_0 = arith.constant 0 : i32
    %c0_i32_1 = arith.constant 0 : i32
    return %c0_i32, %c0_i32_0 : i32, i32
  }
  func.func @transform_5(%arg0: i32) -> (i32, i32) {
    %c0_i32 = arith.constant 0 : i32
    %c0_i32_0 = arith.constant 0 : i32
    return %arg0, %c0_i32 : i32, i32
  }
}

module attributes {stable_mosaic.version = 14 : i64} {
  func.func @_epilogue_body(%arg0: i32, %arg1: memref<2x2000x32xf32, #tpu.memory_space<vmem>>, %arg2: memref<2000x32xf32, #tpu.memory_space<vmem>>, %arg3: memref<2000x1xf32, #tpu.memory_space<vmem>>, %arg4: memref<1x32xf32, #tpu.memory_space<vmem>>, %arg5: memref<2000x32xf32, #tpu.memory_space<vmem>>) attributes {dimension_semantics = [#tpu.dimension_semantics<arbitrary>], iteration_bounds = array<i64: 5>, scalar_prefetch = 0 : i64, scratch_operands = 0 : i64, tpu.core_type = #tpu.core_type<tc>, window_params = [{transform_indices = @transform_0, window_bounds = array<i64: 2, 2000, 32>}, {transform_indices = @transform_1, window_bounds = array<i64: 2000, 32>}, {transform_indices = @transform_2, window_bounds = array<i64: 2000, 1>}, {pipeline_mode = #tpu.pipeline_mode<synchronous>, transform_indices = @transform_3, window_bounds = array<i64: 1, 32>}, {transform_indices = @transform_4, window_bounds = array<i64: 2000, 32>}]} {
    %get3A = arith.constant 0 : index
    %get3A_0 = arith.constant 0 : index
    %get3A_1 = arith.constant 0 : index
    %get3A_2 = vector.load %arg1[%get3A, %get3A_0, %get3A_1] : memref<2x2000x32xf32, #tpu.memory_space<vmem>>, vector<1x2000x32xf32>
    %get3A_3 = vector.shape_cast %get3A_2 : vector<1x2000x32xf32> to vector<2000x32xf32>
    %get3A_4 = arith.constant 1 : index
    %get3A_5 = arith.constant 0 : index
    %get3A_6 = arith.constant 0 : index
    %get3A_7 = vector.load %arg1[%get3A_4, %get3A_5, %get3A_6] : memref<2x2000x32xf32, #tpu.memory_space<vmem>>, vector<1x2000x32xf32>
    %get3A_8 = vector.shape_cast %get3A_7 : vector<1x2000x32xf32> to vector<2000x32xf32>
    %add3A = arith.addf %get3A_3, %get3A_8 : vector<2000x32xf32>
    %get3A_9 = arith.constant 0 : index
    %get3A_10 = arith.constant 0 : index
    %get3A_11 = vector.load %arg2[%get3A_9, %get3A_10] : memref<2000x32xf32, #tpu.memory_space<vmem>>, vector<2000x32xf32>
    %add3A_12 = arith.addf %add3A, %get3A_11 : vector<2000x32xf32>
    %get3A_13 = arith.constant 0 : index
    %get3A_14 = arith.constant 0 : index
    %get3A_15 = vector.load %arg3[%get3A_13, %get3A_14] : memref<2000x1xf32, #tpu.memory_space<vmem>>, vector<2000x1xf32>
    %mul3A = vector.broadcast %get3A_15 : vector<2000x1xf32> to vector<2000x32xf32>
    %mul3A_16 = arith.mulf %add3A_12, %mul3A : vector<2000x32xf32>
    %get3A_17 = arith.constant 0 : index
    %get3A_18 = arith.constant 0 : index
    %get3A_19 = vector.load %arg4[%get3A_17, %get3A_18] : memref<1x32xf32, #tpu.memory_space<vmem>>, vector<1x32xf32>
    %add3A_20 = vector.broadcast %get3A_19 : vector<1x32xf32> to vector<2000x32xf32>
    %add3A_21 = arith.addf %mul3A_16, %add3A_20 : vector<2000x32xf32>
    %swap3A = arith.constant 0 : index
    %swap3A_22 = arith.constant 0 : index
    %swap3A_23 = vector.load %arg5[%swap3A, %swap3A_22] : memref<2000x32xf32, #tpu.memory_space<vmem>>, vector<2000x32xf32>
    tpu.vector_store %arg5[%swap3A, %swap3A_22], %add3A_21 {strides = array<i32>} : memref<2000x32xf32, #tpu.memory_space<vmem>>, vector<2000x32xf32>,
    return
  }
  func.func @transform_0(%arg0: i32) -> (i32, i32, i32) {
    %c0_i32 = arith.constant 0 : i32
    %c0_i32_0 = arith.constant 0 : i32
    %c0_i32_1 = arith.constant 0 : i32
    return %c0_i32, %arg0, %c0_i32_0 : i32, i32, i32
  }
  func.func @transform_1(%arg0: i32) -> (i32, i32) {
    %c0_i32 = arith.constant 0 : i32
    %c0_i32_0 = arith.constant 0 : i32
    return %arg0, %c0_i32 : i32, i32
  }
  func.func @transform_2(%arg0: i32) -> (i32, i32) {
    %c0_i32 = arith.constant 0 : i32
    %c0_i32_0 = arith.constant 0 : i32
    return %arg0, %c0_i32 : i32, i32
  }
  func.func @transform_3(%arg0: i32) -> (i32, i32) {
    %c0_i32 = arith.constant 0 : i32
    %c0_i32_0 = arith.constant 0 : i32
    %c0_i32_1 = arith.constant 0 : i32
    return %c0_i32, %c0_i32_0 : i32, i32
  }
  func.func @transform_4(%arg0: i32) -> (i32, i32) {
    %c0_i32 = arith.constant 0 : i32
    %c0_i32_0 = arith.constant 0 : i32
    return %arg0, %c0_i32 : i32, i32
  }
}

module attributes {stable_mosaic.version = 14 : i64} {
  func.func @_final_mm_body(%arg0: i32, %arg1: memref<1x16000xf32, #tpu.memory_space<vmem>>, %arg2: memref<16000x128xf32, #tpu.memory_space<vmem>>, %arg3: memref<1x128xf32, #tpu.memory_space<vmem>>, %arg4: memref<1x128xf32, #tpu.memory_space<vmem>>) attributes {dimension_semantics = [#tpu.dimension_semantics<arbitrary>], iteration_bounds = array<i64: 20>, scalar_prefetch = 0 : i64, scratch_operands = 0 : i64, tpu.core_type = #tpu.core_type<tc>, window_params = [{transform_indices = @transform_0, window_bounds = array<i64: 1, 16000>}, {transform_indices = @transform_1, window_bounds = array<i64: 16000, 128>}, {pipeline_mode = #tpu.pipeline_mode<synchronous>, transform_indices = @transform_2, window_bounds = array<i64: 1, 128>}, {pipeline_mode = #tpu.pipeline_mode<synchronous>, transform_indices = @transform_3, window_bounds = array<i64: 1, 128>}]} {
    %eq3A = arith.constant 0 : i32
    %eq3A_0 = arith.cmpi eq, %arg0, %eq3A : i32
    %convert_element_type3A = arith.extui %eq3A_0 : i1 to i32
    %cond3A = arith.constant 0 : i32
    %cond3A_1 = arith.cmpi ne, %convert_element_type3A, %cond3A : i32
    scf.if %cond3A_1 {
      %get3A_13 = arith.constant 0 : index
      %get3A_14 = arith.constant 0 : index
      %get3A_15 = vector.load %arg3[%get3A_13, %get3A_14] : memref<1x128xf32, #tpu.memory_space<vmem>>, vector<1x128xf32>
      %swap3A_16 = arith.constant 0 : index
      %swap3A_17 = arith.constant 0 : index
      %swap3A_18 = vector.load %arg4[%swap3A_16, %swap3A_17] : memref<1x128xf32, #tpu.memory_space<vmem>>, vector<1x128xf32>
      tpu.vector_store %arg4[%swap3A_16, %swap3A_17], %get3A_15 {strides = array<i32>} : memref<1x128xf32, #tpu.memory_space<vmem>>, vector<1x128xf32>,
    } else {
    }
    %get3A = arith.constant 0 : index
    %get3A_2 = arith.constant 0 : index
    %get3A_3 = vector.load %arg4[%get3A, %get3A_2] : memref<1x128xf32, #tpu.memory_space<vmem>>, vector<1x128xf32>
    %get3A_4 = arith.constant 0 : index
    %get3A_5 = arith.constant 0 : index
    %get3A_6 = vector.load %arg1[%get3A_4, %get3A_5] : memref<1x16000xf32, #tpu.memory_space<vmem>>, vector<1x16000xf32>
    %get3A_7 = arith.constant 0 : index
    %get3A_8 = arith.constant 0 : index
    %get3A_9 = vector.load %arg2[%get3A_7, %get3A_8] : memref<16000x128xf32, #tpu.memory_space<vmem>>, vector<16000x128xf32>
    %dot_general3A = arith.constant dense<0.000000e+00> : vector<1x128xf32>
    %dot_general3A_10 = tpu.matmul %get3A_6, %get3A_9, %dot_general3A {dimension_numbers = #tpu.dot_dimension_numbers<[1], [0], [0], [1], [0, 0, 1, 1], [], []>, transpose_lhs_hint = false} : vector<1x16000xf32>, vector<16000x128xf32>, vector<1x128xf32> -> vector<1x128xf32>
    %add3A = arith.addf %get3A_3, %dot_general3A_10 : vector<1x128xf32>
    %swap3A = arith.constant 0 : index
    %swap3A_11 = arith.constant 0 : index
    %swap3A_12 = vector.load %arg4[%swap3A, %swap3A_11] : memref<1x128xf32, #tpu.memory_space<vmem>>, vector<1x128xf32>
    tpu.vector_store %arg4[%swap3A, %swap3A_11], %add3A {strides = array<i32>} : memref<1x128xf32, #tpu.memory_space<vmem>>, vector<1x128xf32>,
    return
  }
  func.func @transform_0(%arg0: i32) -> (i32, i32) {
    %c0_i32 = arith.constant 0 : i32
    %c0_i32_0 = arith.constant 0 : i32
    return %c0_i32, %arg0 : i32, i32
  }
  func.func @transform_1(%arg0: i32) -> (i32, i32) {
    %c0_i32 = arith.constant 0 : i32
    %c0_i32_0 = arith.constant 0 : i32
    return %arg0, %c0_i32 : i32, i32
  }
  func.func @transform_2(%arg0: i32) -> (i32, i32) {
    %c0_i32 = arith.constant 0 : i32
    %c0_i32_0 = arith.constant 0 : i32
    %c0_i32_1 = arith.constant 0 : i32
    return %c0_i32, %c0_i32_0 : i32, i32
  }
  func.func @transform_3(%arg0: i32) -> (i32, i32) {
    %c0_i32 = arith.constant 0 : i32
    %c0_i32_0 = arith.constant 0 : i32
    %c0_i32_1 = arith.constant 0 : i32
    return %c0_i32, %c0_i32_0 : i32, i32
  }
}

</mosaic_0001>

<sc_bundles>
// kernel: kernel.11.cloned.1.call-start
scs
__scs_entry_jumppad:
0x0: {  	(pc) =	sbr.rel $0x88, $3  }
0x1: {  	(tag) =	ssettag $0x0;
	lr =	simm.s32 $0x1  }
0x2: {  	[smem:$0x3F97] =	sst lr;
	_ =	strace $0xD0000000  }
0x3: {  	_ = 	snop  }
0x4: {  	_ = 	snop  }
0x5: {  	_ = 	snop  }
0x6: {  	_ = 	snop  }
0x7: {  	_ = 	snop  }
__scs_overlays_trampoline_lowered:
0x8: {  	[smem:$0x3FA6] =	sst s0  }
0x9: {  	[smem:$0x3FA7] =	sst s1  }
0xa: {  	[smem:$0x3FA8] =	sst s2  }
0xb: {  	[smem:$0x3FA9] =	sst s3  }
0xc: {  	[smem:$0x3FAA] =	sst s4  }
0xd: {  	[smem:$0x3FAB] =	sst s5  }
0xe: {  	[smem:$0x3FAC] =	sst s6  }
0xf: {  	[smem:$0x3FAD] =	sst s7  }
0x10: {  	[smem:$0x3FAE] =	sst s8  }
0x11: {  	[smem:$0x3FAF] =	sst s9;
	s0 =	simm.s32 @!p0 $0x0  }
0x12: {  	s1 =	sld [smem:$0x3F95];
	s0 =	simm.s32 @p0 $0x1  }
0x13: {  	[smem:$0x3FB0] =	sst s0;
	s0 =	simm.s32 @!p1 $0x0  }
0x14: {  	s2 =	sld [smem:$0x3F94];
	s0 =	simm.s32 @p1 $0x1  }
0x15: {  	[smem:$0x3FB1] =	sst s0;
	s0 =	simm.s32 @!p2 $0x0  }
0x16: {  	s3 =	sld [smem:$0x3FDB];
	s0 =	simm.s32 @p2 $0x1  }
0x17: {  	s4 =	simm.s32 $0x1BF5;
	[smem:$0x3FB3] =	sst s0  }
0x18: {  	s0 =	sld [smem:$0x3F96];
	_ =	swait.ge [sflag:s4], $0x0  }
0x19: {  	s7 =	sld [smem:$0x3F97]  }
0x1a: {  	s8 =	sadd.s32 $0xFFFFE003, lr  }
0x1b: {  	s9 =	sadd.s32 $0xFFFFFEF7, lr;
	s5 =	simm.s32 $0xFFFFFFFF;
	p2 =	slt.u32 s8, $0xFFFFF086  }
0x1c: {  	p1 =	slt.u32 s9, $0xF7A;
	s5 =	simm.s32 @!p2 $0x0  }
0x1d: {  	s5 =	simm.s32 @p1 $0x1;
	p0 =	seq.s32 s7, s2  }
0x1e: {  	s7 =	smul.u32 @!p0 $0xF7A, s2;
	p2 =	seq.s32 @!p0 s5, $0x0  }
0x1f: {  	s9 =	smul.u32 $0xF7A, s1;
	s8 =	simm.s32 @!p0 $0x1BF5;
	p2 =	por !p2, p0  }
0x20: {  	[sflag:s8] =	ssyncset.s32 @!p0 $0xFFFFF086;
	s6 =	sadd.s32 @!p0 s3, s7;
	s7 =	simm.s32 @!p0 $0x108  }
0x21: {  	s3 =	sadd.s32 s3, s9;
	s6 =	sadd.s32 @!p0 $0x88, s6;
	s7 =	simm.s32 @p2 $0x1082  }
0x22: {  	[simem:s7], [sflag:s8] =	dma.local @!p0 [hbm:s6], $0xF7A  }
0x23: {  	s9 =	sor.u32 $0xD0000000, s2;
	s6 =	simm.s32 $0x108;
	_ =	swait.ge @!p0 [sflag:s8], $0x0  }
0x24: {  	s3 =	sadd.s32 $0x88, s3;
	s6 =	simm.s32 @!p1 $0x1082;
	[sflag:s4] =	ssyncset.s32 $0xFFFFF086  }
0x25: {  	[simem:s6], [sflag:s4] =	dma.local [hbm:s3], $0xF7A  }
0x26: {  	[smem:$0x3F97] =	sst s1;
	(tag) =	ssettag s2;
	_ =	strace s9  }
0x27: {  	s1 =	sld [smem:$0x3FA7]  }
0x28: {  	s2 =	sld [smem:$0x3FA8]  }
0x29: {  	s4 =	sld [smem:$0x3FAA]  }
0x2a: {  	p0 =	seq.s32 s5, $0x0;
	s5 =	sld [smem:$0x3FAB]  }
0x2b: {  	s6 =	sld [smem:$0x3FAC]  }
0x2c: {  	s7 =	sld [smem:$0x3FAD]  }
0x2d: {  	s3 =	simm.s32 $0x108;
	s8 =	sld [smem:$0x3FAE]  }
0x2e: {  	s3 =	simm.s32 @!p0 $0x1082;
	s9 =	sld [smem:$0x3FAF]  }
0x2f: {  	lr =	sadd.s32 s0, s3;
	s0 =	sld [smem:$0x3FA6]  }
0x30: {  	s3 =	sld [smem:$0x3FA9]  }
0x31: {  	[smem:$0x3FB2] =	sst s10  }
0x32: {  	s10 =	sld [smem:$0x3FB0];
	_ =	sdelay $0x3  }
0x33: {  	p0 =	seq.s32 s10, $0x1;
	s10 =	sld [smem:$0x3FB2];
	_ =	sdelay $0x3  }
0x34: {  	[smem:$0x3FB2] =	sst s10  }
0x35: {  	s10 =	sld [smem:$0x3FB1];
	_ =	sdelay $0x3  }
0x36: {  	p1 =	seq.s32 s10, $0x1;
	s10 =	sld [smem:$0x3FB2];
	_ =	sdelay $0x3  }
0x37: {  	[smem:$0x3FB2] =	sst s10  }
0x38: {  	s10 =	sld [smem:$0x3FB3]  }
0x39: {  	_ = 	snop;
	(pc) =	sbr.ind lr, $3  }
0x3a: {  	_ = 	snop  }
0x3b: {  	_ = 	snop  }
0x3c: {  	p2 =	seq.s32 s10, $0x1;
	s10 =	sld [smem:$0x3FB2]  }
0x3d: {  	_ =	shalt  }
0x3e: {  	_ =	shalt  }
0x3f: {  	_ =	shalt  }
0x40: {  	_ =	shalt  }
0x41: {  	_ =	shalt  }
0x42: {  	_ =	shalt  }
0x43: {  	_ =	shalt  }
0x44: {  	_ =	shalt  }
0x45: {  	_ =	shalt  }
0x46: {  	_ =	shalt  }
0x47: {  	_ =	shalt  }
0x48: {  	_ =	shalt  }
0x49: {  	_ =	shalt  }
0x4a: {  	_ =	shalt  }
0x4b: {  	_ =	shalt  }
0x4c: {  	_ =	shalt  }
0x4d: {  	_ =	shalt  }
0x4e: {  	_ =	shalt  }
0x4f: {  	_ =	shalt  }
0x50: {  	_ =	shalt  }
0x51: {  	_ =	shalt  }
0x52: {  	_ =	shalt  }
0x53: {  	_ =	shalt  }
0x54: {  	_ =	shalt  }
0x55: {  	_ =	shalt  }
0x56: {  	_ =	shalt  }
0x57: {  	_ =	shalt  }
0x58: {  	_ =	shalt  }
0x59: {  	_ =	shalt  }
0x5a: {  	_ =	shalt  }
0x5b: {  	_ =	shalt  }
0x5c: {  	_ =	shalt  }
0x5d: {  	_ =	shalt  }
0x5e: {  	_ =	shalt  }
0x5f: {  	_ =	shalt  }
0x60: {  	_ =	shalt  }
0x61: {  	_ =	shalt  }
0x62: {  	_ =	shalt  }
0x63: {  	_ =	shalt  }
0x64: {  	_ =	shalt  }
0x65: {  	_ =	shalt  }
0x66: {  	_ =	shalt  }
0x67: {  	_ =	shalt  }
0x68: {  	_ =	shalt  }
0x69: {  	_ =	shalt  }
0x6a: {  	_ =	shalt  }
0x6b: {  	_ =	shalt  }
0x6c: {  	_ =	shalt  }
0x6d: {  	_ =	shalt  }
0x6e: {  	_ =	shalt  }
0x6f: {  	_ =	shalt  }
0x70: {  	_ =	shalt  }
0x71: {  	_ =	shalt  }
0x72: {  	_ =	shalt  }
0x73: {  	_ =	shalt  }
0x74: {  	_ =	shalt  }
0x75: {  	_ =	shalt  }
0x76: {  	_ =	shalt  }
0x77: {  	_ =	shalt  }
0x78: {  	_ =	shalt  }
0x79: {  	_ =	shalt  }
0x7a: {  	_ =	shalt  }
0x7b: {  	_ =	shalt  }
0x7c: {  	_ =	shalt  }
0x7d: {  	_ =	shalt  }
0x7e: {  	_ =	shalt  }
0x7f: {  	_ =	shalt  }
0x80: {  	_ =	shalt  }
0x81: {  	_ =	shalt  }
0x82: {  	_ =	shalt  }
0x83: {  	_ =	shalt  }
0x84: {  	_ =	shalt  }
0x85: {  	_ =	shalt  }
0x86: {  	_ =	shalt  }
0x87: {  	_ =	shalt  }
.Lfunc_end0:
.L_simem_size_0:
called_computation_lowered:
.L_overlay_start_0:
0x88: {  	s2 =	sld [smem:$0x3FD9]  }
0x89: {  	s3 =	sld [smem:$0x3FFE];
	_ =	sdelay $0x1  }
0x8a: {  	s1 =	srdreg.scid  }
0x8b: {  	s0 =	sand.u32 $0x1, s1  }
0x8c: {  	s16 =	sshll.u32 s0, $0xA;
	s2 =	sadd.s32 s3, s2  }
0x8d: {  	s2 =	sadd.s32 s2, s16  }
0x8e: {  	[smem:$0x3FBE] =	sst s2  }
0x8f: {  	_ = 	snop  }
0x90: {  	(tm) =	ssettm $0x1  }
0x91: {  	s17 =	sld [smem:$0x3FFB];
	_ =	sdelay $0x3  }
0x92: {  	_ =	strace s17  }
0x93: {  	s2 =	sld [smem:$0x3FFC];
	_ =	sdelay $0x3  }
0x94: {  	_ =	strace s2  }
0x95: {  	s2 =	sld [smem:$0x3FFD];
	_ =	sdelay $0x3  }
0x96: {  	_ =	strace s2  }
0x97: {  	_ =	strace $0x8FFFFFFF  }
0x98: {  	s18 =	sld [smem:$0x3FDB];
	_ =	sdelay $0x1  }
0x99: {  	s19 =	simm.s32 $_scs_section_size  }
0x9a: {  	s4 =	simm.s32 $_size__tile_overlayer_lowered;
	s5 =	simm.s32 $_tile_overlayer_lowered  }
0x9b: {  	s22 =	simm.s32 $0x1BFF;
	s21 =	sshll.u32 s5, $0x1;
	s2 =	sadd.s32 s19, s18  }
0x9c: {  	s6 =	simm.s32 $0x0;
	s20 =	sshll.u32 s4, $0x1;
	s4 =	sadd.s32 s21, s2  }
0x9d: {  	[timem:s6], [sflag:s22] =	dma.local [hbm:s4], s20  }
0x9e: {  	_ =	swait.ge [sflag:s22], s20  }
0x9f: {  	s3 =	ssub.s32 $0x0, s20;
	[sflag:s22] =	ssyncset.done $0x0  }
0xa0: {  	[sflag:s22] =	ssyncadd.s32 s3;
	_ =	sdelay $0x1  }
0xa1: {  	s23 =	simm.s32 $0x1B8B  }
0xa2: {  	_ =	swait.ge [sflag:s23], $0x1  }
0xa3: {  	[sflag:s23] =	ssyncset.done $0x0  }
0xa4: {  	s25 =	simm.s32 $0x1B8E;
	s24 =	sld [smem:$0x3FFE];
	[sflag:s23] =	ssyncadd.s32 $0xFFFFFFFF  }
0xa5: {  	s26 =	simm.s32 $execute0_lowered;
	[smem:$0x3FD2] =	sst s25  }
0xa6: {  	s4 =	sshll.u32 s26, $0x1;
	_ =	strace $0x80000046;
	[dreg:$0x1] =	wrdreg $0xFFFFFFFF  }
0xa7: {  	s28 =	simm.s32 $_size_execute0_lowered;
	s2 =	sadd.s32 s2, s4;
	[dreg:$0x0] =	wrdreg $0x0  }
0xa8: {  	s4 =	sshll.u32 s28, $0x1;
	[dreg:$0x2] =	wrdreg s2  }
0xa9: {  	[dreg:$0x3] =	wrdreg s4  }
0xaa: {  	[dreg:$0x4] =	wrdreg $0xC0  }
0xab: {  	_ =	task [dreg:s6], $0x5FFFF  }
0xac: {  	[dreg:$0x1] =	wrdreg $0xFFFFFFFF  }
0xad: {  	[dreg:$0x0] =	wrdreg $0x60  }
0xae: {  	[dreg:$0x2] =	wrdreg s24  }
0xaf: {  	[dreg:$0x3] =	wrdreg $0x28800  }
0xb0: {  	[dreg:$0x4] =	wrdreg $0x9  }
0xb1: {  	_ =	task.clear_ibuf [dreg:s6], $0x5FFFF;
	_ =	strace $0x90000046  }
0xb2: {  	s29 =	simm.s32 $0x9;
	_ =	strace $0x80000048  }
0xb3: {  	_ =	swait.ge [sflag:s29], $0x1  }
0xb4: {  	[sflag:s29] =	ssyncadd.s32 $0xFFFFFFFF  }
0xb5: {  	_ =	strace $0x90000048  }
0xb6: {  	_ =	sfence  }
0xb7: {  	s30 =	sld [smem:$0x0];
	_ =	sdelay $0x2  }
0xb8: {  	s31 =	sshll.u32 s1, $0xD;
	s1 =	sshrl.u32 s1, $0x2  }
0xb9: {  	s3 =	sand.u32 $0x4000, s31;
	s1 =	sadd.s32 s1, s30  }
0xba: {  	s0 =	sor.u32 s3, s0;
	s1 =	sshll.u32 s1, $0x11  }
0xbb: {  	s0 =	sor.u32 s1, s0  }
0xbc: {  	s0 =	sadd.s32 $0x8F2B, s0  }
0xbd: {  	[sflag:s0] =	ssyncadd.remote.s32 $0x1  }
0xbe: {  	_ =	sfence.sel $0xFFFF  }
0xbf: {  	[dreg:$0x0] =	wrdreg $0xFFFFFFFF;
	(pc) =	sbr.abs _section_cstart, $3  }
0xc0: {  	[dreg:$0x1] =	wrdreg $0xFFFFFFFF  }
0xc1: {  	_ =	task.clear_ibuf [dreg:s6], $0x2FFFF;
	_ =	strace $0x9FFFFFFF  }
0xc2: {  	(tm) =	ssettm $0x7FFFFFFF  }
0xc3: {  	_ =	shalt  }
tec
execute0_lowered:
.L_overlay_start_1:
0x0: {  	(tag) =	ssettag $0x1  }
0x1: {  	s4 =	rddreg [dreg:$0x0]  }
0x2: {  	s2 =	rddreg [dreg:$0x1];
	s1 =	srdreg.scid  }
0x3: {  	s0 =	rddreg [dreg:$0x2];
	s3 =	simm.s32 $0x0;
	s15 =	simm.f32 $1.000000000e+00  }
0x4: {  	s12 =	simm.s32 $0x2800;
	s13 =	simm.s32 $0x1;
	s5 =	sand.u32 $0x1, s1  }
0x5: {  	s14 =	simm.s32 $0x80;
	s1 =	stileid.u32;
	s6 =	smul.u32 $0x2800, s5  }
0x6: {  	[smem:$0x7FF] =	sst s3;
	s7 =	sshll.u32 s5, $0x4;
	s8 =	smul.u32 $0x280, s1  }
0x7: {  	_ =	strace $0x80000047;
	s9 =	ssub.s32 $0x2, s5;
	s10 =	smul.u32 $0xA00, s1  }
0x8: {  	p0 =	seq.s32 s5, $0x0;
	s17 =	sshll.u32 s1, $0x6;
	s7 =	sor.u32 s1, s7  }
0x9: {  	s30 =	sshrl.u32 s9, $0x1;
	s15 =	simm.s32 @!p0 $0x0;
	s7 =	smul.u32 $0x500, s7  }
0xa: {  	s6 =	sadd.s32 s8, s6;
	s31 =	sshrl.u32 s10, $0x2;
	s9 =	ssub.s32 s9, s30  }
0xb: {  	s16 =	sadd.s32 s8, s2;
	v0 =	vmov s15;
	s15 =	sor.u32 $0x1C01, s17;
	s17 =	simm.s32 $0x0  }
0xc: {  	s6 =	sshrl.u32 s6, $0x3;
	s16 =	sshrl.u32 s16, $0x3;
	s7 =	sadd.s32 s7, s4  }
0xd: {  	s6 =	sadd.s32 s6, s4;
	s4 =	sadd.s32 s31, s2;
	s5 =	sadd.s32 $0x2A00, s7  }
0xe: {  	s6 =	sadd.s32 $0x16A00, s6;
	s7 =	smax.u32 s9, $0x1;
	s8 =	sadd.s32 $0x80, s4  }
0xf: {  	v1 =	vimm.f32 $1.000000000e+00;
	s9 =	sadd.s32 $0x100, s4;
	s10 =	sadd.s32 $0x180, s4;
	s11 =	sadd.s32 $0x200, s4  }
.LBB2_1:
0x10: {  	[tilespmem:$0x2800] =	vst v0  }
0x11: {  	[tilespmem:$0x2810] =	vst v0  }
0x12: {  	[tilespmem:$0x2820] =	vst v0  }
0x13: {  	[tilespmem:$0x2830] =	vst v0  }
0x14: {  	[tilespmem:$0x2840] =	vst v0  }
0x15: {  	[tilespmem:$0x2850] =	vst v0  }
0x16: {  	[tilespmem:$0x2860] =	vst v0  }
0x17: {  	[tilespmem:$0x2870] =	vst v0  }
0x18: {  	[spmem:s4] =	stream.linear.scatter [tilespmem:s12], [sflag:$0x1], $0x80, $0x38;
	[tilespmem:$0x2B00] =	vst v63  }
0x19: {  	_ =	swait.ge [sflag:s13], $0x80  }
0x1a: {  	[sflag:s13] =	ssyncset.done $0x0  }
0x1b: {  	[sflag:s13] =	ssyncadd.s32 $0xFFFFFF80  }
0x1c: {  	[spmem:s8] =	stream.linear.scatter [tilespmem:s12], [sflag:$0x1], $0x80, $0x38;
	[tilespmem:$0x2B00] =	vst v63  }
0x1d: {  	_ =	swait.ge [sflag:s13], $0x80  }
0x1e: {  	[sflag:s13] =	ssyncset.done $0x0  }
0x1f: {  	[sflag:s13] =	ssyncadd.s32 $0xFFFFFF80  }
0x20: {  	[spmem:s9] =	stream.linear.scatter [tilespmem:s12], [sflag:$0x1], $0x80, $0x38;
	[tilespmem:$0x2B00] =	vst v63  }
0x21: {  	_ =	swait.ge [sflag:s13], $0x80  }
0x22: {  	[sflag:s13] =	ssyncset.done $0x0  }
0x23: {  	[sflag:s13] =	ssyncadd.s32 $0xFFFFFF80  }
0x24: {  	[spmem:s10] =	stream.linear.scatter [tilespmem:s12], [sflag:$0x1], $0x80, $0x38;
	[tilespmem:$0x2B00] =	vst v63  }
0x25: {  	_ =	swait.ge [sflag:s13], $0x80  }
0x26: {  	[sflag:s13] =	ssyncset.done $0x0  }
0x27: {  	[sflag:s13] =	ssyncadd.s32 $0xFFFFFF80  }
0x28: {  	[spmem:s11] =	stream.linear.scatter [tilespmem:s12], [sflag:$0x1], $0x80, $0x38;
	[tilespmem:$0x2B00] =	vst v63  }
0x29: {  	_ =	swait.ge [sflag:s13], $0x80  }
0x2a: {  	[sflag:s13] =	ssyncset.done $0x0  }
0x2b: {  	[sflag:s13] =	ssyncadd.s32 $0xFFFFFF80  }
0x2c: {  	[tilespmem:$0x2800] =	vst v1  }
0x2d: {  	[tilespmem:$0x2810] =	vst v1  }
0x2e: {  	[tilespmem:$0x2820] =	vst v1  }
0x2f: {  	[tilespmem:$0x2830] =	vst v1  }
0x30: {  	[tilespmem:$0x2840] =	vst v1  }
0x31: {  	[tilespmem:$0x2850] =	vst v1  }
0x32: {  	[tilespmem:$0x2860] =	vst v1  }
0x33: {  	[tilespmem:$0x2870] =	vst v1  }
0x34: {  	[bflag:$0x0] =	sbarrier.arrive $0xFFFF  }
0x35: {  	[tilespmem:s3], [sflag:$0x1] =	stream.linear.gather [hbm4b:s5+s3], $0x2800, $0x38;
	[tilespmem:$0x2B00] =	vst v63  }
0x36: {  	_ =	swait.ge [sflag:s13], $0x2800  }
0x37: {  	[sflag:s13] =	ssyncset.done $0x0  }
0x38: {  	s18 =	simm.s32 $0x0;
	[sflag:s13] =	ssyncadd.s32 $0xFFFFD800  }
0x39: {  	[spmem:s2] =	stream.indirect.scatter.add.f32 [tilespmem:s12], [sflag:$0x1], $0x1, s18, s14, $0xb8;
	[tilespmem:$0x2B00] =	vst v63  }
0x3a: {  	_ =	swait.ge [sflag:s13], $0x80  }
0x3b: {  	s18 =	simm.s32 $0x200;
	[sflag:s13] =	ssyncset.done $0x0  }
.LBB2_2:
0x3c: {  	s19 =	sshra.s32 s18, $0x2;
	[sflag:s13] =	ssyncadd.s32 $0xFFFFFF80;
	p0 =	sne.s32 s18, $0x9E00  }
0x3d: {  	[spmem:s2] =	stream.indirect.scatter.add.f32 [tilespmem:s12], [sflag:$0x1], $0x1, s19, s14, $0xb8;
	[tilespmem:$0x2B00] =	vst v63  }
.Ltmp0:
0x3e: {  	_ = 	snop;
	(pc) =	sbr.rel @p0 .LBB2_2-.Ltmp0, $4  }
0x3f: {  	_ = 	snop  }
0x40: {  	s18 =	sadd.s32 $0x200, s18  }
0x41: {  	_ =	swait.ge [sflag:s13], $0x80  }
0x42: {  	[sflag:s13] =	ssyncset.done $0x0  }
0x43: {  	s17 =	sadd.s32 $0x1, s17  }
0x44: {  	[sflag:s13] =	ssyncadd.s32 $0xFFFFFF80;
	p0 =	sne.s32 s17, s7  }
.Ltmp1:
0x45: {  	[bflag:$0x0] =	sbarrier.arrive $0xFFFF;
	(pc) =	sbr.rel @p0 .LBB2_1-.Ltmp1, $4  }
0x46: {  	[hbm:s6], [sflag:s15] =	dma.local [spmem:s16], $0x50  }
0x47: {  	_ =	swait.ge [sflag:s13], $0x50  }
0x48: {  	[sflag:s13] =	ssyncset.done $0x0  }
0x49: {  	[sflag:s13] =	ssyncadd.s32 $0xFFFFFFB0  }
0x4a: {  	_ =	sfence.sel $0x180000  }
0x4b: {  	[bflag:$0x0] =	sbarrier.arrive $0xFFFF  }
0x4c: {  	p0 =	sne.s32 s1, $0x0;
	_ =	strace $0x90000047  }
0x4d: {  	s0 =	sadd.s32 @!p0 $0x100000, s0;
	[bflag:$0x2] =	sbarrier.arrive $0xFFFF  }
0x4e: {  	[sflag:s0] =	ssyncadd.tile.s32 @!p0 $0x1;
	_ =	shalt  }
.Lfunc_end2:
_tile_overlayer_lowered:
.L_overlay_start_2:
0x4f: {  	(tag) =	ssettag $0x2  }
0x50: {  	s0 =	rddreg [dreg:$0x0];
	s2 =	stileid.u32  }
0x51: {  	s1 =	rddreg [dreg:$0x1];
	p0 =	sne.s32 s2, $0x0  }
0x52: {  	s3 =	rddreg [dreg:$0x2];
	[bflag:$0x3] =	sbarrier.arrive $0xFFFF;
	s2 =	simm.s32 @!p0 $0x1C01  }
0x53: {  	[timem:s3], [sflag:s2] =	dma.local @!p0 [hbm:s0], s1  }
0x54: {  	s0 =	simm.s32 @!p0 $0x1  }
0x55: {  	_ =	swait.ge @!p0 [sflag:s0], s1  }
0x56: {  	s1 =	ssub.s32 @!p0 $0x0, s1;
	[sflag:s0] =	ssyncset.done @!p0 $0x0  }
0x57: {  	[sflag:s0] =	ssyncadd.s32 @!p0 s1  }
0x58: {  	[bflag:$0x3] =	sbarrier.arrive $0xFFFF  }
0x59: {  	_ =	shalt  }

// kernel: kernel.14.cloned.1.call-start
scs
__scs_entry_jumppad:
0x0: {  	(pc) =	sbr.rel $0x88, $3  }
0x1: {  	(tag) =	ssettag $0x0;
	lr =	simm.s32 $0x1  }
0x2: {  	[smem:$0x3F97] =	sst lr;
	_ =	strace $0xD0000000  }
0x3: {  	_ = 	snop  }
0x4: {  	_ = 	snop  }
0x5: {  	_ = 	snop  }
0x6: {  	_ = 	snop  }
0x7: {  	_ = 	snop  }
__scs_overlays_trampoline_lowered:
0x8: {  	[smem:$0x3FA6] =	sst s0  }
0x9: {  	[smem:$0x3FA7] =	sst s1  }
0xa: {  	[smem:$0x3FA8] =	sst s2  }
0xb: {  	[smem:$0x3FA9] =	sst s3  }
0xc: {  	[smem:$0x3FAA] =	sst s4  }
0xd: {  	[smem:$0x3FAB] =	sst s5  }
0xe: {  	[smem:$0x3FAC] =	sst s6  }
0xf: {  	[smem:$0x3FAD] =	sst s7  }
0x10: {  	[smem:$0x3FAE] =	sst s8  }
0x11: {  	[smem:$0x3FAF] =	sst s9;
	s0 =	simm.s32 @!p0 $0x0  }
0x12: {  	s1 =	sld [smem:$0x3F95];
	s0 =	simm.s32 @p0 $0x1  }
0x13: {  	[smem:$0x3FB0] =	sst s0;
	s0 =	simm.s32 @!p1 $0x0  }
0x14: {  	s2 =	sld [smem:$0x3F94];
	s0 =	simm.s32 @p1 $0x1  }
0x15: {  	[smem:$0x3FB1] =	sst s0;
	s0 =	simm.s32 @!p2 $0x0  }
0x16: {  	s3 =	sld [smem:$0x3FDB];
	s0 =	simm.s32 @p2 $0x1  }
0x17: {  	s4 =	simm.s32 $0x1BF5;
	[smem:$0x3FB3] =	sst s0  }
0x18: {  	s0 =	sld [smem:$0x3F96];
	_ =	swait.ge [sflag:s4], $0x0  }
0x19: {  	s7 =	sld [smem:$0x3F97]  }
0x1a: {  	s8 =	sadd.s32 $0xFFFFE003, lr  }
0x1b: {  	s9 =	sadd.s32 $0xFFFFFEF7, lr;
	s5 =	simm.s32 $0xFFFFFFFF;
	p2 =	slt.u32 s8, $0xFFFFF086  }
0x1c: {  	p1 =	slt.u32 s9, $0xF7A;
	s5 =	simm.s32 @!p2 $0x0  }
0x1d: {  	s5 =	simm.s32 @p1 $0x1;
	p0 =	seq.s32 s7, s2  }
0x1e: {  	s7 =	smul.u32 @!p0 $0xF7A, s2;
	p2 =	seq.s32 @!p0 s5, $0x0  }
0x1f: {  	s9 =	smul.u32 $0xF7A, s1;
	s8 =	simm.s32 @!p0 $0x1BF5;
	p2 =	por !p2, p0  }
0x20: {  	[sflag:s8] =	ssyncset.s32 @!p0 $0xFFFFF086;
	s6 =	sadd.s32 @!p0 s3, s7;
	s7 =	simm.s32 @!p0 $0x108  }
0x21: {  	s3 =	sadd.s32 s3, s9;
	s6 =	sadd.s32 @!p0 $0x88, s6;
	s7 =	simm.s32 @p2 $0x1082  }
0x22: {  	[simem:s7], [sflag:s8] =	dma.local @!p0 [hbm:s6], $0xF7A  }
0x23: {  	s9 =	sor.u32 $0xD0000000, s2;
	s6 =	simm.s32 $0x108;
	_ =	swait.ge @!p0 [sflag:s8], $0x0  }
0x24: {  	s3 =	sadd.s32 $0x88, s3;
	s6 =	simm.s32 @!p1 $0x1082;
	[sflag:s4] =	ssyncset.s32 $0xFFFFF086  }
0x25: {  	[simem:s6], [sflag:s4] =	dma.local [hbm:s3], $0xF7A  }
0x26: {  	[smem:$0x3F97] =	sst s1;
	(tag) =	ssettag s2;
	_ =	strace s9  }
0x27: {  	s1 =	sld [smem:$0x3FA7]  }
0x28: {  	s2 =	sld [smem:$0x3FA8]  }
0x29: {  	s4 =	sld [smem:$0x3FAA]  }
0x2a: {  	p0 =	seq.s32 s5, $0x0;
	s5 =	sld [smem:$0x3FAB]  }
0x2b: {  	s6 =	sld [smem:$0x3FAC]  }
0x2c: {  	s7 =	sld [smem:$0x3FAD]  }
0x2d: {  	s3 =	simm.s32 $0x108;
	s8 =	sld [smem:$0x3FAE]  }
0x2e: {  	s3 =	simm.s32 @!p0 $0x1082;
	s9 =	sld [smem:$0x3FAF]  }
0x2f: {  	lr =	sadd.s32 s0, s3;
	s0 =	sld [smem:$0x3FA6]  }
0x30: {  	s3 =	sld [smem:$0x3FA9]  }
0x31: {  	[smem:$0x3FB2] =	sst s10  }
0x32: {  	s10 =	sld [smem:$0x3FB0];
	_ =	sdelay $0x3  }
0x33: {  	p0 =	seq.s32 s10, $0x1;
	s10 =	sld [smem:$0x3FB2];
	_ =	sdelay $0x3  }
0x34: {  	[smem:$0x3FB2] =	sst s10  }
0x35: {  	s10 =	sld [smem:$0x3FB1];
	_ =	sdelay $0x3  }
0x36: {  	p1 =	seq.s32 s10, $0x1;
	s10 =	sld [smem:$0x3FB2];
	_ =	sdelay $0x3  }
0x37: {  	[smem:$0x3FB2] =	sst s10  }
0x38: {  	s10 =	sld [smem:$0x3FB3]  }
0x39: {  	_ = 	snop;
	(pc) =	sbr.ind lr, $3  }
0x3a: {  	_ = 	snop  }
0x3b: {  	_ = 	snop  }
0x3c: {  	p2 =	seq.s32 s10, $0x1;
	s10 =	sld [smem:$0x3FB2]  }
0x3d: {  	_ =	shalt  }
0x3e: {  	_ =	shalt  }
0x3f: {  	_ =	shalt  }
0x40: {  	_ =	shalt  }
0x41: {  	_ =	shalt  }
0x42: {  	_ =	shalt  }
0x43: {  	_ =	shalt  }
0x44: {  	_ =	shalt  }
0x45: {  	_ =	shalt  }
0x46: {  	_ =	shalt  }
0x47: {  	_ =	shalt  }
0x48: {  	_ =	shalt  }
0x49: {  	_ =	shalt  }
0x4a: {  	_ =	shalt  }
0x4b: {  	_ =	shalt  }
0x4c: {  	_ =	shalt  }
0x4d: {  	_ =	shalt  }
0x4e: {  	_ =	shalt  }
0x4f: {  	_ =	shalt  }
0x50: {  	_ =	shalt  }
0x51: {  	_ =	shalt  }
0x52: {  	_ =	shalt  }
0x53: {  	_ =	shalt  }
0x54: {  	_ =	shalt  }
0x55: {  	_ =	shalt  }
0x56: {  	_ =	shalt  }
0x57: {  	_ =	shalt  }
0x58: {  	_ =	shalt  }
0x59: {  	_ =	shalt  }
0x5a: {  	_ =	shalt  }
0x5b: {  	_ =	shalt  }
0x5c: {  	_ =	shalt  }
0x5d: {  	_ =	shalt  }
0x5e: {  	_ =	shalt  }
0x5f: {  	_ =	shalt  }
0x60: {  	_ =	shalt  }
0x61: {  	_ =	shalt  }
0x62: {  	_ =	shalt  }
0x63: {  	_ =	shalt  }
0x64: {  	_ =	shalt  }
0x65: {  	_ =	shalt  }
0x66: {  	_ =	shalt  }
0x67: {  	_ =	shalt  }
0x68: {  	_ =	shalt  }
0x69: {  	_ =	shalt  }
0x6a: {  	_ =	shalt  }
0x6b: {  	_ =	shalt  }
0x6c: {  	_ =	shalt  }
0x6d: {  	_ =	shalt  }
0x6e: {  	_ =	shalt  }
0x6f: {  	_ =	shalt  }
0x70: {  	_ =	shalt  }
0x71: {  	_ =	shalt  }
0x72: {  	_ =	shalt  }
0x73: {  	_ =	shalt  }
0x74: {  	_ =	shalt  }
0x75: {  	_ =	shalt  }
0x76: {  	_ =	shalt  }
0x77: {  	_ =	shalt  }
0x78: {  	_ =	shalt  }
0x79: {  	_ =	shalt  }
0x7a: {  	_ =	shalt  }
0x7b: {  	_ =	shalt  }
0x7c: {  	_ =	shalt  }
0x7d: {  	_ =	shalt  }
0x7e: {  	_ =	shalt  }
0x7f: {  	_ =	shalt  }
0x80: {  	_ =	shalt  }
0x81: {  	_ =	shalt  }
0x82: {  	_ =	shalt  }
0x83: {  	_ =	shalt  }
0x84: {  	_ =	shalt  }
0x85: {  	_ =	shalt  }
0x86: {  	_ =	shalt  }
0x87: {  	_ =	shalt  }
.Lfunc_end0:
.L_simem_size_0:
called_computation.1_lowered:
.L_overlay_start_0:
0x88: {  	s2 =	sld [smem:$0x3FD9]  }
0x89: {  	s3 =	sld [smem:$0x3FFE];
	_ =	sdelay $0x1  }
0x8a: {  	s1 =	srdreg.scid  }
0x8b: {  	s0 =	sand.u32 $0x1, s1  }
0x8c: {  	s16 =	sshll.u32 s0, $0xA;
	s2 =	sadd.s32 s3, s2  }
0x8d: {  	s2 =	sadd.s32 s2, s16  }
0x8e: {  	[smem:$0x3FBE] =	sst s2  }
0x8f: {  	_ = 	snop  }
0x90: {  	(tm) =	ssettm $0x1  }
0x91: {  	s17 =	sld [smem:$0x3FFB];
	_ =	sdelay $0x3  }
0x92: {  	_ =	strace s17  }
0x93: {  	s2 =	sld [smem:$0x3FFC];
	_ =	sdelay $0x3  }
0x94: {  	_ =	strace s2  }
0x95: {  	s2 =	sld [smem:$0x3FFD];
	_ =	sdelay $0x3  }
0x96: {  	_ =	strace s2  }
0x97: {  	_ =	strace $0x8FFFFFFF  }
0x98: {  	s18 =	sld [smem:$0x3FDB];
	_ =	sdelay $0x1  }
0x99: {  	s19 =	simm.s32 $_scs_section_size  }
0x9a: {  	s4 =	simm.s32 $_size__tile_overlayer_lowered;
	s5 =	simm.s32 $_tile_overlayer_lowered  }
0x9b: {  	s22 =	simm.s32 $0x1BFF;
	s21 =	sshll.u32 s5, $0x1;
	s2 =	sadd.s32 s19, s18  }
0x9c: {  	s6 =	simm.s32 $0x0;
	s20 =	sshll.u32 s4, $0x1;
	s4 =	sadd.s32 s21, s2  }
0x9d: {  	[timem:s6], [sflag:s22] =	dma.local [hbm:s4], s20  }
0x9e: {  	_ =	swait.ge [sflag:s22], s20  }
0x9f: {  	s3 =	ssub.s32 $0x0, s20;
	[sflag:s22] =	ssyncset.done $0x0  }
0xa0: {  	[sflag:s22] =	ssyncadd.s32 s3;
	_ =	sdelay $0x1  }
0xa1: {  	s23 =	simm.s32 $0x1B8B  }
0xa2: {  	_ =	swait.ge [sflag:s23], $0x1  }
0xa3: {  	[sflag:s23] =	ssyncset.done $0x0  }
0xa4: {  	s25 =	simm.s32 $0x1B8E;
	s24 =	sld [smem:$0x3FFE];
	[sflag:s23] =	ssyncadd.s32 $0xFFFFFFFF  }
0xa5: {  	s26 =	simm.s32 $execute0_lowered;
	[smem:$0x3FD2] =	sst s25  }
0xa6: {  	s4 =	sshll.u32 s26, $0x1;
	_ =	strace $0x80000049;
	[dreg:$0x1] =	wrdreg $0xFFFFFFFF  }
0xa7: {  	s28 =	simm.s32 $_size_execute0_lowered;
	s2 =	sadd.s32 s2, s4;
	[dreg:$0x0] =	wrdreg $0x0  }
0xa8: {  	s4 =	sshll.u32 s28, $0x1;
	[dreg:$0x2] =	wrdreg s2  }
0xa9: {  	[dreg:$0x3] =	wrdreg s4  }
0xaa: {  	[dreg:$0x4] =	wrdreg $0xC0  }
0xab: {  	_ =	task [dreg:s6], $0x5FFFF  }
0xac: {  	[dreg:$0x1] =	wrdreg $0xFFFFFFFF  }
0xad: {  	[dreg:$0x0] =	wrdreg $0x60  }
0xae: {  	[dreg:$0x2] =	wrdreg s24  }
0xaf: {  	[dreg:$0x3] =	wrdreg $0x90000  }
0xb0: {  	[dreg:$0x4] =	wrdreg $0x9  }
0xb1: {  	_ =	task.clear_ibuf [dreg:s6], $0x5FFFF;
	_ =	strace $0x90000049  }
0xb2: {  	s29 =	simm.s32 $0x9;
	_ =	strace $0x8000004B  }
0xb3: {  	_ =	swait.ge [sflag:s29], $0x1  }
0xb4: {  	[sflag:s29] =	ssyncadd.s32 $0xFFFFFFFF  }
0xb5: {  	_ =	strace $0x9000004B  }
0xb6: {  	_ =	sfence  }
0xb7: {  	s30 =	sld [smem:$0x0];
	_ =	sdelay $0x2  }
0xb8: {  	s31 =	sshll.u32 s1, $0xD;
	s1 =	sshrl.u32 s1, $0x2  }
0xb9: {  	s3 =	sand.u32 $0x4000, s31;
	s1 =	sadd.s32 s1, s30  }
0xba: {  	s0 =	sor.u32 s3, s0;
	s1 =	sshll.u32 s1, $0x11  }
0xbb: {  	s0 =	sor.u32 s1, s0  }
0xbc: {  	s0 =	sadd.s32 $0x8F2B, s0  }
0xbd: {  	[sflag:s0] =	ssyncadd.remote.s32 $0x1  }
0xbe: {  	_ =	sfence.sel $0xFFFF  }
0xbf: {  	[dreg:$0x0] =	wrdreg $0xFFFFFFFF;
	(pc) =	sbr.abs _section_cstart, $3  }
0xc0: {  	[dreg:$0x1] =	wrdreg $0xFFFFFFFF  }
0xc1: {  	_ =	task.clear_ibuf [dreg:s6], $0x2FFFF;
	_ =	strace $0x9FFFFFFF  }
0xc2: {  	(tm) =	ssettm $0x7FFFFFFF  }
0xc3: {  	_ =	shalt  }
tec
execute0_lowered:
.L_overlay_start_1:
0x0: {  	(tag) =	ssettag $0x1  }
0x1: {  	s5 =	rddreg [dreg:$0x0]  }
0x2: {  	s1 =	rddreg [dreg:$0x1]  }
0x3: {  	s2 =	srdreg.scid;
	s0 =	rddreg [dreg:$0x2];
	s3 =	simm.s32 $0x0  }
0x4: {  	s14 =	simm.s32 $0x5000;
	s15 =	simm.s32 $0x1;
	s6 =	sand.u32 $0x1, s2  }
0x5: {  	s16 =	simm.s32 $0x2800;
	s2 =	stileid.u32;
	s7 =	smul.u32 $0x140000, s6  }
0x6: {  	s17 =	simm.s32 $0x80;
	[smem:$0x7FF] =	sst s3;
	s9 =	smul.u32 $0x14000, s2  }
0x7: {  	s4 =	sshll.u32 s6, $0x4;
	_ =	strace $0x8000004A;
	s10 =	smul.u32 $0x50000, s2  }
0x8: {  	s6 =	ssub.s32 $0x2, s6;
	s18 =	sshll.u32 s2, $0x6;
	s4 =	sor.u32 s2, s4  }
0x9: {  	s29 =	sshrl.u32 s6, $0x1;
	s18 =	sor.u32 $0x1C01, s18;
	s8 =	smul.u32 $0x500, s4  }
0xa: {  	s4 =	sadd.s32 $0x16A00, s5;
	s7 =	sadd.s32 s9, s7;
	s30 =	sshrl.u32 s10, $0x2  }
0xb: {  	s31 =	ssub.s32 s6, s29;
	s19 =	sadd.s32 s9, s1;
	s7 =	sshrl.u32 s7, $0x3  }
0xc: {  	s9 =	smax.u32 s31, $0x1;
	s19 =	sshrl.u32 s19, $0x3;
	s8 =	sadd.s32 s8, s5  }
0xd: {  	s11 =	sadd.s32 s7, s5;
	s5 =	sadd.s32 s30, s1;
	s6 =	sadd.s32 $0xCA00, s8  }
0xe: {  	s7 =	sadd.s32 $0x2A00, s8;
	s8 =	sadd.s32 $0x3DC00, s11;
	s10 =	sadd.s32 $0x4000, s5  }
0xf: {  	v0 =	vimm.f32 $0.0e+00;
	s11 =	sadd.s32 $0x8000, s5;
	s12 =	sadd.s32 $0xC000, s5;
	s13 =	sadd.s32 $0x10000, s5  }
.LBB2_1:
0x10: {  	s20 =	simm.s32 $0x0;
	s21 =	simm.s32 $0x200  }
.LBB2_2:
0x11: {  	p0 =	sne.s32 s21, $0xFE00;
	[tilespmem:s20+$0x5070] =	vst v0  }
0x12: {  	[tilespmem:s20+$0x5000] =	vst v0  }
0x13: {  	[tilespmem:s20+$0x5010] =	vst v0  }
.Ltmp0:
0x14: {  	[tilespmem:s20+$0x5020] =	vst v0;
	(pc) =	sbr.rel @p0 .LBB2_2-.Ltmp0, $4  }
0x15: {  	[tilespmem:s20+$0x5030] =	vst v0  }
0x16: {  	[tilespmem:s20+$0x5040] =	vst v0  }
0x17: {  	[tilespmem:s20+$0x5050] =	vst v0  }
0x18: {  	[tilespmem:s20+$0x5060] =	vst v0;
	s20 =	sshra.s32 s21, $0x2;
	s21 =	sadd.s32 $0x200, s21  }
0x19: {  	[tilespmem:s20+$0x5070] =	vst v0  }
0x1a: {  	[tilespmem:s20+$0x5000] =	vst v0  }
0x1b: {  	[tilespmem:s20+$0x5010] =	vst v0  }
0x1c: {  	[tilespmem:s20+$0x5020] =	vst v0  }
0x1d: {  	[tilespmem:s20+$0x5030] =	vst v0  }
0x1e: {  	[tilespmem:s20+$0x5040] =	vst v0  }
0x1f: {  	[tilespmem:s20+$0x5050] =	vst v0  }
0x20: {  	[tilespmem:s20+$0x5060] =	vst v0  }
0x21: {  	[spmem:s5] =	stream.linear.scatter [tilespmem:s14], [sflag:$0x1], $0x4000, $0x38;
	[tilespmem:$0x1D000] =	vst v63  }
0x22: {  	_ =	swait.ge [sflag:s15], $0x4000  }
0x23: {  	[sflag:s15] =	ssyncset.done $0x0  }
0x24: {  	[sflag:s15] =	ssyncadd.s32 $0xFFFFC000  }
0x25: {  	[spmem:s10] =	stream.linear.scatter [tilespmem:s14], [sflag:$0x1], $0x4000, $0x38;
	[tilespmem:$0x1D000] =	vst v63  }
0x26: {  	_ =	swait.ge [sflag:s15], $0x4000  }
0x27: {  	[sflag:s15] =	ssyncset.done $0x0  }
0x28: {  	[sflag:s15] =	ssyncadd.s32 $0xFFFFC000  }
0x29: {  	[spmem:s11] =	stream.linear.scatter [tilespmem:s14], [sflag:$0x1], $0x4000, $0x38;
	[tilespmem:$0x1D000] =	vst v63  }
0x2a: {  	_ =	swait.ge [sflag:s15], $0x4000  }
0x2b: {  	[sflag:s15] =	ssyncset.done $0x0  }
0x2c: {  	[sflag:s15] =	ssyncadd.s32 $0xFFFFC000  }
0x2d: {  	[spmem:s12] =	stream.linear.scatter [tilespmem:s14], [sflag:$0x1], $0x4000, $0x38;
	[tilespmem:$0x1D000] =	vst v63  }
0x2e: {  	_ =	swait.ge [sflag:s15], $0x4000  }
0x2f: {  	[sflag:s15] =	ssyncset.done $0x0  }
0x30: {  	[sflag:s15] =	ssyncadd.s32 $0xFFFFC000  }
0x31: {  	[spmem:s13] =	stream.linear.scatter [tilespmem:s14], [sflag:$0x1], $0x4000, $0x38;
	[tilespmem:$0x1D000] =	vst v63  }
0x32: {  	_ =	swait.ge [sflag:s15], $0x4000  }
0x33: {  	[sflag:s15] =	ssyncset.done $0x0  }
0x34: {  	[sflag:s15] =	ssyncadd.s32 $0xFFFFC000  }
0x35: {  	s29 =	simm.s32 $0x0;
	[bflag:$0x0] =	sbarrier.arrive $0xFFFF  }
0x36: {  	[tilespmem:s29], [sflag:$0x1] =	stream.linear.gather [hbm4b:s6+s29], $0x2800, $0x38;
	[tilespmem:$0x1D000] =	vst v63  }
0x37: {  	_ =	swait.ge [sflag:s15], $0x2800  }
0x38: {  	[sflag:s15] =	ssyncset.done $0x0  }
0x39: {  	[sflag:s15] =	ssyncadd.s32 $0xFFFFD800  }
0x3a: {  	[tilespmem:s16], [sflag:$0x1] =	stream.linear.gather [hbm4b:s7+s29], $0x2800, $0x38;
	[tilespmem:$0x1D000] =	vst v63  }
0x3b: {  	_ =	swait.ge [sflag:s15], $0x2800  }
0x3c: {  	[sflag:s15] =	ssyncset.done $0x0  }
0x3d: {  	s30 =	simm.s32 $0x0;
	[sflag:s15] =	ssyncadd.s32 $0xFFFFD800  }
0x3e: {  	[tilespmem:s14], [sflag:$0x1] =	stream.indirect.gather [hbm4b:s4+s17], $0x80, s30, s17, $0xb8;
	[tilespmem:$0x1D000] =	vst v63  }
0x3f: {  	_ =	swait.ge [sflag:s15], $0x4000  }
0x40: {  	[sflag:s15] =	ssyncset.done $0x0  }
0x41: {  	s31 =	simm.s32 $0x2800;
	[sflag:s15] =	ssyncadd.s32 $0xFFFFC000  }
0x42: {  	[spmem:s1] =	stream.indirect.scatter.add.f32 [tilespmem:s14], [sflag:$0x1], $0x80, s31, s17, $0xb8;
	[tilespmem:$0x1D000] =	vst v63  }
0x43: {  	_ =	swait.ge [sflag:s15], $0x4000  }
0x44: {  	s20 =	simm.s32 $0x200;
	s21 =	simm.s32 $0x400;
	[sflag:s15] =	ssyncset.done $0x0  }
.LBB2_4:
0x45: {  	s22 =	sshra.s32 s20, $0x2  }
0x46: {  	[sflag:s15] =	ssyncadd.s32 $0xFFFFC000;
	s20 =	smov.u32 s21;
	s23 =	sadd.s32 $0x200, s21  }
0x47: {  	[tilespmem:s14], [sflag:$0x1] =	stream.indirect.gather [hbm4b:s4+s17], $0x80, s22, s17, $0xb8;
	[tilespmem:$0x1D000] =	vst v63  }
0x48: {  	p0 =	sne.s32 s21, $0x9E00;
	_ =	swait.ge [sflag:s15], $0x4000  }
.Ltmp1:
0x49: {  	[sflag:s15] =	ssyncset.done $0x0;
	(pc) =	sbr.rel @p0 .LBB2_4-.Ltmp1, $4  }
0x4a: {  	s21 =	sadd.s32 $0x2800, s22;
	[sflag:s15] =	ssyncadd.s32 $0xFFFFC000  }
0x4b: {  	[spmem:s1] =	stream.indirect.scatter.add.f32 [tilespmem:s14], [sflag:$0x1], $0x80, s21, s17, $0xb8;
	[tilespmem:$0x1D000] =	vst v63  }
0x4c: {  	_ =	swait.ge [sflag:s15], $0x4000  }
0x4d: {  	s21 =	smov.u32 s23;
	[sflag:s15] =	ssyncset.done $0x0  }
0x4e: {  	s20 =	sshra.s32 s20, $0x2;
	[sflag:s15] =	ssyncadd.s32 $0xFFFFC000  }
0x4f: {  	[tilespmem:s14], [sflag:$0x1] =	stream.indirect.gather [hbm4b:s4+s17], $0x80, s20, s17, $0xb8;
	[tilespmem:$0x1D000] =	vst v63  }
0x50: {  	_ =	swait.ge [sflag:s15], $0x4000  }
0x51: {  	[sflag:s15] =	ssyncset.done $0x0  }
0x52: {  	s20 =	sadd.s32 $0x2800, s20;
	[sflag:s15] =	ssyncadd.s32 $0xFFFFC000  }
0x53: {  	[spmem:s1] =	stream.indirect.scatter.add.f32 [tilespmem:s14], [sflag:$0x1], $0x80, s20, s17, $0xb8;
	[tilespmem:$0x1D000] =	vst v63  }
0x54: {  	_ =	swait.ge [sflag:s15], $0x4000  }
0x55: {  	s3 =	sadd.s32 $0x1, s3;
	[sflag:s15] =	ssyncset.done $0x0  }
0x56: {  	p0 =	sne.s32 s3, s9;
	[sflag:s15] =	ssyncadd.s32 $0xFFFFC000  }
.Ltmp2:
0x57: {  	[bflag:$0x0] =	sbarrier.arrive $0xFFFF;
	(pc) =	sbr.rel @p0 .LBB2_1-.Ltmp2, $4  }
0x58: {  	[hbm:s8], [sflag:s18] =	dma.local [spmem:s19], $0x2800  }
0x59: {  	_ =	swait.ge [sflag:s15], $0x2800  }
0x5a: {  	[sflag:s15] =	ssyncset.done $0x0  }
0x5b: {  	[sflag:s15] =	ssyncadd.s32 $0xFFFFD800  }
0x5c: {  	_ =	sfence.sel $0x180000  }
0x5d: {  	[bflag:$0x0] =	sbarrier.arrive $0xFFFF  }
0x5e: {  	p0 =	sne.s32 s2, $0x0;
	_ =	strace $0x9000004A  }
0x5f: {  	s0 =	sadd.s32 @!p0 $0x100000, s0;
	[bflag:$0x2] =	sbarrier.arrive $0xFFFF  }
0x60: {  	[sflag:s0] =	ssyncadd.tile.s32 @!p0 $0x1;
	_ =	shalt  }
.Lfunc_end2:
_tile_overlayer_lowered:
.L_overlay_start_2:
0x61: {  	(tag) =	ssettag $0x2  }
0x62: {  	s0 =	rddreg [dreg:$0x0];
	s2 =	stileid.u32  }
0x63: {  	s1 =	rddreg [dreg:$0x1];
	p0 =	sne.s32 s2, $0x0  }
0x64: {  	s3 =	rddreg [dreg:$0x2];
	[bflag:$0x3] =	sbarrier.arrive $0xFFFF;
	s2 =	simm.s32 @!p0 $0x1C01  }
0x65: {  	[timem:s3], [sflag:s2] =	dma.local @!p0 [hbm:s0], s1  }
0x66: {  	s0 =	simm.s32 @!p0 $0x1  }
0x67: {  	_ =	swait.ge @!p0 [sflag:s0], s1  }
0x68: {  	s1 =	ssub.s32 @!p0 $0x0, s1;
	[sflag:s0] =	ssyncset.done @!p0 $0x0  }
0x69: {  	[sflag:s0] =	ssyncadd.s32 @!p0 s1  }
0x6a: {  	[bflag:$0x3] =	sbarrier.arrive $0xFFFF  }
0x6b: {  	_ =	shalt  }

// kernel: kernel.17.cloned.1.call-start
scs
__scs_entry_jumppad:
0x0: {  	(pc) =	sbr.rel $0x88, $3  }
0x1: {  	(tag) =	ssettag $0x0;
	lr =	simm.s32 $0x1  }
0x2: {  	[smem:$0x3F97] =	sst lr;
	_ =	strace $0xD0000000  }
0x3: {  	_ = 	snop  }
0x4: {  	_ = 	snop  }
0x5: {  	_ = 	snop  }
0x6: {  	_ = 	snop  }
0x7: {  	_ = 	snop  }
__scs_overlays_trampoline_lowered:
0x8: {  	[smem:$0x3FA6] =	sst s0  }
0x9: {  	[smem:$0x3FA7] =	sst s1  }
0xa: {  	[smem:$0x3FA8] =	sst s2  }
0xb: {  	[smem:$0x3FA9] =	sst s3  }
0xc: {  	[smem:$0x3FAA] =	sst s4  }
0xd: {  	[smem:$0x3FAB] =	sst s5  }
0xe: {  	[smem:$0x3FAC] =	sst s6  }
0xf: {  	[smem:$0x3FAD] =	sst s7  }
0x10: {  	[smem:$0x3FAE] =	sst s8  }
0x11: {  	[smem:$0x3FAF] =	sst s9;
	s0 =	simm.s32 @!p0 $0x0  }
0x12: {  	s1 =	sld [smem:$0x3F95];
	s0 =	simm.s32 @p0 $0x1  }
0x13: {  	[smem:$0x3FB0] =	sst s0;
	s0 =	simm.s32 @!p1 $0x0  }
0x14: {  	s2 =	sld [smem:$0x3F94];
	s0 =	simm.s32 @p1 $0x1  }
0x15: {  	[smem:$0x3FB1] =	sst s0;
	s0 =	simm.s32 @!p2 $0x0  }
0x16: {  	s3 =	sld [smem:$0x3FDB];
	s0 =	simm.s32 @p2 $0x1  }
0x17: {  	s4 =	simm.s32 $0x1BF5;
	[smem:$0x3FB3] =	sst s0  }
0x18: {  	s0 =	sld [smem:$0x3F96];
	_ =	swait.ge [sflag:s4], $0x0  }
0x19: {  	s7 =	sld [smem:$0x3F97]  }
0x1a: {  	s8 =	sadd.s32 $0xFFFFE003, lr  }
0x1b: {  	s9 =	sadd.s32 $0xFFFFFEF7, lr;
	s5 =	simm.s32 $0xFFFFFFFF;
	p2 =	slt.u32 s8, $0xFFFFF086  }
0x1c: {  	p1 =	slt.u32 s9, $0xF7A;
	s5 =	simm.s32 @!p2 $0x0  }
0x1d: {  	s5 =	simm.s32 @p1 $0x1;
	p0 =	seq.s32 s7, s2  }
0x1e: {  	s7 =	smul.u32 @!p0 $0xF7A, s2;
	p2 =	seq.s32 @!p0 s5, $0x0  }
0x1f: {  	s9 =	smul.u32 $0xF7A, s1;
	s8 =	simm.s32 @!p0 $0x1BF5;
	p2 =	por !p2, p0  }
0x20: {  	[sflag:s8] =	ssyncset.s32 @!p0 $0xFFFFF086;
	s6 =	sadd.s32 @!p0 s3, s7;
	s7 =	simm.s32 @!p0 $0x108  }
0x21: {  	s3 =	sadd.s32 s3, s9;
	s6 =	sadd.s32 @!p0 $0x88, s6;
	s7 =	simm.s32 @p2 $0x1082  }
0x22: {  	[simem:s7], [sflag:s8] =	dma.local @!p0 [hbm:s6], $0xF7A  }
0x23: {  	s9 =	sor.u32 $0xD0000000, s2;
	s6 =	simm.s32 $0x108;
	_ =	swait.ge @!p0 [sflag:s8], $0x0  }
0x24: {  	s3 =	sadd.s32 $0x88, s3;
	s6 =	simm.s32 @!p1 $0x1082;
	[sflag:s4] =	ssyncset.s32 $0xFFFFF086  }
0x25: {  	[simem:s6], [sflag:s4] =	dma.local [hbm:s3], $0xF7A  }
0x26: {  	[smem:$0x3F97] =	sst s1;
	(tag) =	ssettag s2;
	_ =	strace s9  }
0x27: {  	s1 =	sld [smem:$0x3FA7]  }
0x28: {  	s2 =	sld [smem:$0x3FA8]  }
0x29: {  	s4 =	sld [smem:$0x3FAA]  }
0x2a: {  	p0 =	seq.s32 s5, $0x0;
	s5 =	sld [smem:$0x3FAB]  }
0x2b: {  	s6 =	sld [smem:$0x3FAC]  }
0x2c: {  	s7 =	sld [smem:$0x3FAD]  }
0x2d: {  	s3 =	simm.s32 $0x108;
	s8 =	sld [smem:$0x3FAE]  }
0x2e: {  	s3 =	simm.s32 @!p0 $0x1082;
	s9 =	sld [smem:$0x3FAF]  }
0x2f: {  	lr =	sadd.s32 s0, s3;
	s0 =	sld [smem:$0x3FA6]  }
0x30: {  	s3 =	sld [smem:$0x3FA9]  }
0x31: {  	[smem:$0x3FB2] =	sst s10  }
0x32: {  	s10 =	sld [smem:$0x3FB0];
	_ =	sdelay $0x3  }
0x33: {  	p0 =	seq.s32 s10, $0x1;
	s10 =	sld [smem:$0x3FB2];
	_ =	sdelay $0x3  }
0x34: {  	[smem:$0x3FB2] =	sst s10  }
0x35: {  	s10 =	sld [smem:$0x3FB1];
	_ =	sdelay $0x3  }
0x36: {  	p1 =	seq.s32 s10, $0x1;
	s10 =	sld [smem:$0x3FB2];
	_ =	sdelay $0x3  }
0x37: {  	[smem:$0x3FB2] =	sst s10  }
0x38: {  	s10 =	sld [smem:$0x3FB3]  }
0x39: {  	_ = 	snop;
	(pc) =	sbr.ind lr, $3  }
0x3a: {  	_ = 	snop  }
0x3b: {  	_ = 	snop  }
0x3c: {  	p2 =	seq.s32 s10, $0x1;
	s10 =	sld [smem:$0x3FB2]  }
0x3d: {  	_ =	shalt  }
0x3e: {  	_ =	shalt  }
0x3f: {  	_ =	shalt  }
0x40: {  	_ =	shalt  }
0x41: {  	_ =	shalt  }
0x42: {  	_ =	shalt  }
0x43: {  	_ =	shalt  }
0x44: {  	_ =	shalt  }
0x45: {  	_ =	shalt  }
0x46: {  	_ =	shalt  }
0x47: {  	_ =	shalt  }
0x48: {  	_ =	shalt  }
0x49: {  	_ =	shalt  }
0x4a: {  	_ =	shalt  }
0x4b: {  	_ =	shalt  }
0x4c: {  	_ =	shalt  }
0x4d: {  	_ =	shalt  }
0x4e: {  	_ =	shalt  }
0x4f: {  	_ =	shalt  }
0x50: {  	_ =	shalt  }
0x51: {  	_ =	shalt  }
0x52: {  	_ =	shalt  }
0x53: {  	_ =	shalt  }
0x54: {  	_ =	shalt  }
0x55: {  	_ =	shalt  }
0x56: {  	_ =	shalt  }
0x57: {  	_ =	shalt  }
0x58: {  	_ =	shalt  }
0x59: {  	_ =	shalt  }
0x5a: {  	_ =	shalt  }
0x5b: {  	_ =	shalt  }
0x5c: {  	_ =	shalt  }
0x5d: {  	_ =	shalt  }
0x5e: {  	_ =	shalt  }
0x5f: {  	_ =	shalt  }
0x60: {  	_ =	shalt  }
0x61: {  	_ =	shalt  }
0x62: {  	_ =	shalt  }
0x63: {  	_ =	shalt  }
0x64: {  	_ =	shalt  }
0x65: {  	_ =	shalt  }
0x66: {  	_ =	shalt  }
0x67: {  	_ =	shalt  }
0x68: {  	_ =	shalt  }
0x69: {  	_ =	shalt  }
0x6a: {  	_ =	shalt  }
0x6b: {  	_ =	shalt  }
0x6c: {  	_ =	shalt  }
0x6d: {  	_ =	shalt  }
0x6e: {  	_ =	shalt  }
0x6f: {  	_ =	shalt  }
0x70: {  	_ =	shalt  }
0x71: {  	_ =	shalt  }
0x72: {  	_ =	shalt  }
0x73: {  	_ =	shalt  }
0x74: {  	_ =	shalt  }
0x75: {  	_ =	shalt  }
0x76: {  	_ =	shalt  }
0x77: {  	_ =	shalt  }
0x78: {  	_ =	shalt  }
0x79: {  	_ =	shalt  }
0x7a: {  	_ =	shalt  }
0x7b: {  	_ =	shalt  }
0x7c: {  	_ =	shalt  }
0x7d: {  	_ =	shalt  }
0x7e: {  	_ =	shalt  }
0x7f: {  	_ =	shalt  }
0x80: {  	_ =	shalt  }
0x81: {  	_ =	shalt  }
0x82: {  	_ =	shalt  }
0x83: {  	_ =	shalt  }
0x84: {  	_ =	shalt  }
0x85: {  	_ =	shalt  }
0x86: {  	_ =	shalt  }
0x87: {  	_ =	shalt  }
.Lfunc_end0:
.L_simem_size_0:
called_computation.2_lowered:
.L_overlay_start_0:
0x88: {  	s2 =	sld [smem:$0x3FD9]  }
0x89: {  	s3 =	sld [smem:$0x3FFE];
	_ =	sdelay $0x1  }
0x8a: {  	s1 =	srdreg.scid  }
0x8b: {  	s0 =	sand.u32 $0x1, s1  }
0x8c: {  	s16 =	sshll.u32 s0, $0xA;
	s2 =	sadd.s32 s3, s2  }
0x8d: {  	s2 =	sadd.s32 s2, s16  }
0x8e: {  	[smem:$0x3FBE] =	sst s2  }
0x8f: {  	_ = 	snop  }
0x90: {  	(tm) =	ssettm $0x1  }
0x91: {  	s17 =	sld [smem:$0x3FFB];
	_ =	sdelay $0x3  }
0x92: {  	_ =	strace s17  }
0x93: {  	s2 =	sld [smem:$0x3FFC];
	_ =	sdelay $0x3  }
0x94: {  	_ =	strace s2  }
0x95: {  	s2 =	sld [smem:$0x3FFD];
	_ =	sdelay $0x3  }
0x96: {  	_ =	strace s2  }
0x97: {  	_ =	strace $0x8FFFFFFF  }
0x98: {  	s18 =	sld [smem:$0x3FDB];
	_ =	sdelay $0x1  }
0x99: {  	s19 =	simm.s32 $_scs_section_size  }
0x9a: {  	s4 =	simm.s32 $_size__tile_overlayer_lowered;
	s5 =	simm.s32 $_tile_overlayer_lowered  }
0x9b: {  	s22 =	simm.s32 $0x1BFF;
	s21 =	sshll.u32 s5, $0x1;
	s2 =	sadd.s32 s19, s18  }
0x9c: {  	s6 =	simm.s32 $0x0;
	s20 =	sshll.u32 s4, $0x1;
	s4 =	sadd.s32 s21, s2  }
0x9d: {  	[timem:s6], [sflag:s22] =	dma.local [hbm:s4], s20  }
0x9e: {  	_ =	swait.ge [sflag:s22], s20  }
0x9f: {  	s3 =	ssub.s32 $0x0, s20;
	[sflag:s22] =	ssyncset.done $0x0  }
0xa0: {  	[sflag:s22] =	ssyncadd.s32 s3;
	_ =	sdelay $0x1  }
0xa1: {  	s23 =	simm.s32 $0x1B8B  }
0xa2: {  	_ =	swait.ge [sflag:s23], $0x1  }
0xa3: {  	[sflag:s23] =	ssyncset.done $0x0  }
0xa4: {  	s25 =	simm.s32 $0x1B8E;
	s24 =	sld [smem:$0x3FFE];
	[sflag:s23] =	ssyncadd.s32 $0xFFFFFFFF  }
0xa5: {  	s26 =	simm.s32 $execute0_lowered;
	[smem:$0x3FD2] =	sst s25  }
0xa6: {  	s4 =	sshll.u32 s26, $0x1;
	_ =	strace $0x8000004C;
	[dreg:$0x1] =	wrdreg $0xFFFFFFFF  }
0xa7: {  	s28 =	simm.s32 $_size_execute0_lowered;
	s2 =	sadd.s32 s2, s4;
	[dreg:$0x0] =	wrdreg $0x0  }
0xa8: {  	s4 =	sshll.u32 s28, $0x1;
	[dreg:$0x2] =	wrdreg s2  }
0xa9: {  	[dreg:$0x3] =	wrdreg s4  }
0xaa: {  	[dreg:$0x4] =	wrdreg $0xC0  }
0xab: {  	_ =	task [dreg:s6], $0x5FFFF  }
0xac: {  	[dreg:$0x1] =	wrdreg $0xFFFFFFFF  }
0xad: {  	[dreg:$0x0] =	wrdreg $0x60  }
0xae: {  	[dreg:$0x2] =	wrdreg s24  }
0xaf: {  	[dreg:$0x3] =	wrdreg $0x10C400  }
0xb0: {  	[dreg:$0x4] =	wrdreg $0x70000  }
0xb1: {  	[dreg:$0x5] =	wrdreg $0x9  }
0xb2: {  	_ =	task.clear_ibuf [dreg:s6], $0x6FFFF;
	_ =	strace $0x9000004C  }
0xb3: {  	s29 =	simm.s32 $0x9;
	_ =	strace $0x8000004E  }
0xb4: {  	_ =	swait.ge [sflag:s29], $0x1  }
0xb5: {  	[sflag:s29] =	ssyncadd.s32 $0xFFFFFFFF  }
0xb6: {  	_ =	strace $0x9000004E  }
0xb7: {  	_ =	sfence  }
0xb8: {  	s30 =	sld [smem:$0x0];
	_ =	sdelay $0x2  }
0xb9: {  	s31 =	sshll.u32 s1, $0xD;
	s1 =	sshrl.u32 s1, $0x2  }
0xba: {  	s3 =	sand.u32 $0x4000, s31;
	s1 =	sadd.s32 s1, s30  }
0xbb: {  	s0 =	sor.u32 s3, s0;
	s1 =	sshll.u32 s1, $0x11  }
0xbc: {  	s0 =	sor.u32 s1, s0  }
0xbd: {  	s0 =	sadd.s32 $0x8F2B, s0  }
0xbe: {  	[sflag:s0] =	ssyncadd.remote.s32 $0x1  }
0xbf: {  	_ =	sfence.sel $0xFFFF  }
0xc0: {  	[dreg:$0x0] =	wrdreg $0xFFFFFFFF;
	(pc) =	sbr.abs _section_cstart, $3  }
0xc1: {  	[dreg:$0x1] =	wrdreg $0xFFFFFFFF  }
0xc2: {  	_ =	task.clear_ibuf [dreg:s6], $0x2FFFF;
	_ =	strace $0x9FFFFFFF  }
0xc3: {  	(tm) =	ssettm $0x7FFFFFFF  }
tec
execute0_lowered:
.L_overlay_start_1:
0x0: {  	(tag) =	ssettag $0x1  }
0x1: {  	s5 =	rddreg [dreg:$0x0]  }
0x2: {  	s2 =	rddreg [dreg:$0x1]  }
0x3: {  	s3 =	rddreg [dreg:$0x2]  }
0x4: {  	s1 =	stileid.u32;
	s4 =	srdreg.scid  }
0x5: {  	s0 =	rddreg [dreg:$0x3];
	s15 =	simm.s32 $0x5000;
	s16 =	simm.s32 $0x1  }
0x6: {  	s19 =	simm.s32 $0x2800;
	s20 =	simm.s32 $0x80;
	s6 =	smul.u32 $0x9C40, s1  }
0x7: {  	s7 =	sand.u32 $0x1, s4;
	s4 =	simm.s32 $0x0;
	s10 =	smul.u32 $0xA000, s1  }
0x8: {  	s12 =	smul.u32 $0x28000, s1;
	s17 =	sshll.u32 s1, $0x6;
	s8 =	sshll.u32 s7, $0x4  }
0x9: {  	s9 =	smul.u32 $0xA0000, s7;
	[smem:$0x7FF] =	sst s4;
	s7 =	ssub.s32 $0x2, s7  }
0xa: {  	s17 =	sor.u32 $0x1C01, s17;
	s8 =	sor.u32 s1, s8;
	_ =	strace $0x8000004D  }
0xb: {  	s11 =	sshrl.u32 s6, $0x3;
	s31 =	sshrl.u32 s7, $0x1;
	s12 =	sshrl.u32 s12, $0x2  }
0xc: {  	s18 =	sadd.s32 s6, s3;
	s21 =	sadd.s32 s10, s2;
	s8 =	smul.u32 $0x500, s8  }
0xd: {  	s11 =	sadd.s32 s11, s5;
	s9 =	sadd.s32 s10, s9;
	s13 =	ssub.s32 s7, s31  }
0xe: {  	s18 =	sshrl.u32 s18, $0x3;
	s21 =	sshrl.u32 s21, $0x3;
	s9 =	sshrl.u32 s9, $0x3  }
0xf: {  	s6 =	sadd.s32 $0x16A00, s11;
	s10 =	smax.u32 s13, $0x1;
	s8 =	sadd.s32 s8, s5  }
0x10: {  	s9 =	sadd.s32 s9, s5;
	s5 =	sadd.s32 s12, s2;
	s7 =	sadd.s32 $0xCA00, s8  }
0x11: {  	s8 =	sadd.s32 $0x2A00, s8;
	s9 =	sadd.s32 $0x2A400, s9;
	s11 =	sadd.s32 $0x2000, s5  }
0x12: {  	v0 =	vimm.f32 $0.0e+00;
	s12 =	sadd.s32 $0x4000, s5;
	s13 =	sadd.s32 $0x6000, s5;
	s14 =	sadd.s32 $0x8000, s5  }
.LBB2_1:
0x13: {  	s23 =	simm.s32 $0x100;
	s22 =	simm.s32 $0x0  }
.LBB2_2:
0x14: {  	p0 =	sne.s32 s23, $0x7F00;
	[tilespmem:s22+$0x5030] =	vst v0;
	s24 =	smov.u32 s23;
	s23 =	sadd.s32 $0x100, s23  }
.Ltmp0:
0x15: {  	[tilespmem:s22+$0x5020] =	vst v0;
	(pc) =	sbr.rel @p0 .LBB2_2-.Ltmp0, $3  }
0x16: {  	[tilespmem:s22+$0x5000] =	vst v0  }
0x17: {  	[tilespmem:s22+$0x5010] =	vst v0;
	_ =	sdelay $0x1  }
0x18: {  	s22 =	sshra.s32 s24, $0x2  }
0x19: {  	[tilespmem:s22+$0x5030] =	vst v0  }
0x1a: {  	[tilespmem:s22+$0x5020] =	vst v0  }
0x1b: {  	[tilespmem:s22+$0x5000] =	vst v0  }
0x1c: {  	[tilespmem:s22+$0x5010] =	vst v0  }
0x1d: {  	[spmem:s5] =	stream.linear.scatter [tilespmem:s15], [sflag:$0x1], $0x2000, $0x38;
	[tilespmem:$0x1AC40] =	vst v63  }
0x1e: {  	_ =	swait.ge [sflag:s16], $0x2000  }
0x1f: {  	[sflag:s16] =	ssyncset.done $0x0  }
0x20: {  	[sflag:s16] =	ssyncadd.s32 $0xFFFFE000  }
0x21: {  	[spmem:s11] =	stream.linear.scatter [tilespmem:s15], [sflag:$0x1], $0x2000, $0x38;
	[tilespmem:$0x1AC40] =	vst v63  }
0x22: {  	_ =	swait.ge [sflag:s16], $0x2000  }
0x23: {  	[sflag:s16] =	ssyncset.done $0x0  }
0x24: {  	[sflag:s16] =	ssyncadd.s32 $0xFFFFE000  }
0x25: {  	[spmem:s12] =	stream.linear.scatter [tilespmem:s15], [sflag:$0x1], $0x2000, $0x38;
	[tilespmem:$0x1AC40] =	vst v63  }
0x26: {  	_ =	swait.ge [sflag:s16], $0x2000  }
0x27: {  	[sflag:s16] =	ssyncset.done $0x0  }
0x28: {  	[sflag:s16] =	ssyncadd.s32 $0xFFFFE000  }
0x29: {  	[spmem:s13] =	stream.linear.scatter [tilespmem:s15], [sflag:$0x1], $0x2000, $0x38;
	[tilespmem:$0x1AC40] =	vst v63  }
0x2a: {  	_ =	swait.ge [sflag:s16], $0x2000  }
0x2b: {  	[sflag:s16] =	ssyncset.done $0x0  }
0x2c: {  	[sflag:s16] =	ssyncadd.s32 $0xFFFFE000  }
0x2d: {  	[spmem:s14] =	stream.linear.scatter [tilespmem:s15], [sflag:$0x1], $0x2000, $0x38;
	[tilespmem:$0x1AC40] =	vst v63  }
0x2e: {  	_ =	swait.ge [sflag:s16], $0x2000  }
0x2f: {  	[sflag:s16] =	ssyncset.done $0x0  }
0x30: {  	[sflag:s16] =	ssyncadd.s32 $0xFFFFE000  }
0x31: {  	[spmem:s18], [sflag:s17] =	dma.local [hbm:s6], $0x1388  }
0x32: {  	_ =	swait.ge [sflag:s16], $0x1388  }
0x33: {  	[sflag:s16] =	ssyncset.done $0x0  }
0x34: {  	[sflag:s16] =	ssyncadd.s32 $0xFFFFEC78  }
0x35: {  	s29 =	simm.s32 $0x0;
	[bflag:$0x0] =	sbarrier.arrive $0xFFFF  }
0x36: {  	[tilespmem:s29], [sflag:$0x1] =	stream.linear.gather [hbm4b:s7+s29], $0x2800, $0x38;
	[tilespmem:$0x1AC40] =	vst v63  }
0x37: {  	_ =	swait.ge [sflag:s16], $0x2800  }
0x38: {  	[sflag:s16] =	ssyncset.done $0x0  }
0x39: {  	[sflag:s16] =	ssyncadd.s32 $0xFFFFD800  }
0x3a: {  	[tilespmem:s19], [sflag:$0x1] =	stream.linear.gather [hbm4b:s8+s29], $0x2800, $0x38;
	[tilespmem:$0x1AC40] =	vst v63  }
0x3b: {  	_ =	swait.ge [sflag:s16], $0x2800  }
0x3c: {  	[sflag:s16] =	ssyncset.done $0x0  }
0x3d: {  	s30 =	simm.s32 $0x0;
	[sflag:s16] =	ssyncadd.s32 $0xFFFFD800  }
0x3e: {  	[tilespmem:s15], [sflag:$0x1] =	stream.indirect.gather [spmem:s3], $0x40, s30, s20, $0xb8;
	[tilespmem:$0x1AC40] =	vst v63  }
0x3f: {  	_ =	swait.ge [sflag:s16], $0x2000  }
0x40: {  	[sflag:s16] =	ssyncset.done $0x0  }
0x41: {  	s31 =	simm.s32 $0x2800;
	[sflag:s16] =	ssyncadd.s32 $0xFFFFE000  }
0x42: {  	[spmem:s2] =	stream.indirect.scatter.add.f32 [tilespmem:s15], [sflag:$0x1], $0x40, s31, s20, $0xb8;
	[tilespmem:$0x1AC40] =	vst v63  }
0x43: {  	_ =	swait.ge [sflag:s16], $0x2000  }
0x44: {  	s22 =	simm.s32 $0x200;
	s23 =	simm.s32 $0x400;
	[sflag:s16] =	ssyncset.done $0x0  }
.LBB2_4:
0x45: {  	s24 =	sshra.s32 s22, $0x2  }
0x46: {  	[sflag:s16] =	ssyncadd.s32 $0xFFFFE000;
	s22 =	smov.u32 s23;
	s25 =	sadd.s32 $0x200, s23  }
0x47: {  	[tilespmem:s15], [sflag:$0x1] =	stream.indirect.gather [spmem:s3], $0x40, s24, s20, $0xb8;
	[tilespmem:$0x1AC40] =	vst v63  }
0x48: {  	p0 =	sne.s32 s23, $0x9E00;
	_ =	swait.ge [sflag:s16], $0x2000  }
.Ltmp1:
0x49: {  	[sflag:s16] =	ssyncset.done $0x0;
	(pc) =	sbr.rel @p0 .LBB2_4-.Ltmp1, $4  }
0x4a: {  	s23 =	sadd.s32 $0x2800, s24;
	[sflag:s16] =	ssyncadd.s32 $0xFFFFE000  }
0x4b: {  	[spmem:s2] =	stream.indirect.scatter.add.f32 [tilespmem:s15], [sflag:$0x1], $0x40, s23, s20, $0xb8;
	[tilespmem:$0x1AC40] =	vst v63  }
0x4c: {  	_ =	swait.ge [sflag:s16], $0x2000  }
0x4d: {  	s23 =	smov.u32 s25;
	[sflag:s16] =	ssyncset.done $0x0  }
0x4e: {  	s22 =	sshra.s32 s22, $0x2;
	[sflag:s16] =	ssyncadd.s32 $0xFFFFE000  }
0x4f: {  	[tilespmem:s15], [sflag:$0x1] =	stream.indirect.gather [spmem:s3], $0x40, s22, s20, $0xb8;
	[tilespmem:$0x1AC40] =	vst v63  }
0x50: {  	_ =	swait.ge [sflag:s16], $0x2000  }
0x51: {  	[sflag:s16] =	ssyncset.done $0x0  }
0x52: {  	s22 =	sadd.s32 $0x2800, s22;
	[sflag:s16] =	ssyncadd.s32 $0xFFFFE000  }
0x53: {  	[spmem:s2] =	stream.indirect.scatter.add.f32 [tilespmem:s15], [sflag:$0x1], $0x40, s22, s20, $0xb8;
	[tilespmem:$0x1AC40] =	vst v63  }
0x54: {  	_ =	swait.ge [sflag:s16], $0x2000  }
0x55: {  	s4 =	sadd.s32 $0x1, s4;
	[sflag:s16] =	ssyncset.done $0x0  }
0x56: {  	p0 =	sne.s32 s4, s10;
	[sflag:s16] =	ssyncadd.s32 $0xFFFFE000  }
.Ltmp2:
0x57: {  	[bflag:$0x0] =	sbarrier.arrive $0xFFFF;
	(pc) =	sbr.rel @p0 .LBB2_1-.Ltmp2, $4  }
0x58: {  	[hbm:s9], [sflag:s17] =	dma.local [spmem:s21], $0x1400  }
0x59: {  	_ =	swait.ge [sflag:s16], $0x1400  }
0x5a: {  	[sflag:s16] =	ssyncset.done $0x0  }
0x5b: {  	[sflag:s16] =	ssyncadd.s32 $0xFFFFEC00  }
0x5c: {  	_ =	sfence.sel $0x180000  }
0x5d: {  	[bflag:$0x0] =	sbarrier.arrive $0xFFFF  }
0x5e: {  	p0 =	sne.s32 s1, $0x0;
	_ =	strace $0x9000004D  }
0x5f: {  	s0 =	sadd.s32 @!p0 $0x100000, s0;
	[bflag:$0x2] =	sbarrier.arrive $0xFFFF  }
0x60: {  	[sflag:s0] =	ssyncadd.tile.s32 @!p0 $0x1;
	_ =	shalt  }
.Lfunc_end2:
_tile_overlayer_lowered:
.L_overlay_start_2:
0x61: {  	(tag) =	ssettag $0x2  }
0x62: {  	s0 =	rddreg [dreg:$0x0];
	s2 =	stileid.u32  }
0x63: {  	s1 =	rddreg [dreg:$0x1];
	p0 =	sne.s32 s2, $0x0  }
0x64: {  	s3 =	rddreg [dreg:$0x2];
	[bflag:$0x3] =	sbarrier.arrive $0xFFFF;
	s2 =	simm.s32 @!p0 $0x1C01  }
0x65: {  	[timem:s3], [sflag:s2] =	dma.local @!p0 [hbm:s0], s1  }
0x66: {  	s0 =	simm.s32 @!p0 $0x1  }
0x67: {  	_ =	swait.ge @!p0 [sflag:s0], s1  }
0x68: {  	s1 =	ssub.s32 @!p0 $0x0, s1;
	[sflag:s0] =	ssyncset.done @!p0 $0x0  }
0x69: {  	[sflag:s0] =	ssyncadd.s32 @!p0 s1  }
0x6a: {  	[bflag:$0x3] =	sbarrier.arrive $0xFFFF  }
0x6b: {  	_ =	shalt  }

// kernel: kernel.20.cloned.1.call-start
scs
__scs_entry_jumppad:
0x0: {  	(pc) =	sbr.rel $0x88, $3  }
0x1: {  	(tag) =	ssettag $0x0;
	lr =	simm.s32 $0x1  }
0x2: {  	[smem:$0x3F97] =	sst lr;
	_ =	strace $0xD0000000  }
0x3: {  	_ = 	snop  }
0x4: {  	_ = 	snop  }
0x5: {  	_ = 	snop  }
0x6: {  	_ = 	snop  }
0x7: {  	_ = 	snop  }
__scs_overlays_trampoline_lowered:
0x8: {  	[smem:$0x3FA6] =	sst s0  }
0x9: {  	[smem:$0x3FA7] =	sst s1  }
0xa: {  	[smem:$0x3FA8] =	sst s2  }
0xb: {  	[smem:$0x3FA9] =	sst s3  }
0xc: {  	[smem:$0x3FAA] =	sst s4  }
0xd: {  	[smem:$0x3FAB] =	sst s5  }
0xe: {  	[smem:$0x3FAC] =	sst s6  }
0xf: {  	[smem:$0x3FAD] =	sst s7  }
0x10: {  	[smem:$0x3FAE] =	sst s8  }
0x11: {  	[smem:$0x3FAF] =	sst s9;
	s0 =	simm.s32 @!p0 $0x0  }
0x12: {  	s1 =	sld [smem:$0x3F95];
	s0 =	simm.s32 @p0 $0x1  }
0x13: {  	[smem:$0x3FB0] =	sst s0;
	s0 =	simm.s32 @!p1 $0x0  }
0x14: {  	s2 =	sld [smem:$0x3F94];
	s0 =	simm.s32 @p1 $0x1  }
0x15: {  	[smem:$0x3FB1] =	sst s0;
	s0 =	simm.s32 @!p2 $0x0  }
0x16: {  	s3 =	sld [smem:$0x3FDB];
	s0 =	simm.s32 @p2 $0x1  }
0x17: {  	s4 =	simm.s32 $0x1BF5;
	[smem:$0x3FB3] =	sst s0  }
0x18: {  	s0 =	sld [smem:$0x3F96];
	_ =	swait.ge [sflag:s4], $0x0  }
0x19: {  	s7 =	sld [smem:$0x3F97]  }
0x1a: {  	s8 =	sadd.s32 $0xFFFFE003, lr  }
0x1b: {  	s9 =	sadd.s32 $0xFFFFFEF7, lr;
	s5 =	simm.s32 $0xFFFFFFFF;
	p2 =	slt.u32 s8, $0xFFFFF086  }
0x1c: {  	p1 =	slt.u32 s9, $0xF7A;
	s5 =	simm.s32 @!p2 $0x0  }
0x1d: {  	s5 =	simm.s32 @p1 $0x1;
	p0 =	seq.s32 s7, s2  }
0x1e: {  	s7 =	smul.u32 @!p0 $0xF7A, s2;
	p2 =	seq.s32 @!p0 s5, $0x0  }
0x1f: {  	s9 =	smul.u32 $0xF7A, s1;
	s8 =	simm.s32 @!p0 $0x1BF5;
	p2 =	por !p2, p0  }
0x20: {  	[sflag:s8] =	ssyncset.s32 @!p0 $0xFFFFF086;
	s6 =	sadd.s32 @!p0 s3, s7;
	s7 =	simm.s32 @!p0 $0x108  }
0x21: {  	s3 =	sadd.s32 s3, s9;
	s6 =	sadd.s32 @!p0 $0x88, s6;
	s7 =	simm.s32 @p2 $0x1082  }
0x22: {  	[simem:s7], [sflag:s8] =	dma.local @!p0 [hbm:s6], $0xF7A  }
0x23: {  	s9 =	sor.u32 $0xD0000000, s2;
	s6 =	simm.s32 $0x108;
	_ =	swait.ge @!p0 [sflag:s8], $0x0  }
0x24: {  	s3 =	sadd.s32 $0x88, s3;
	s6 =	simm.s32 @!p1 $0x1082;
	[sflag:s4] =	ssyncset.s32 $0xFFFFF086  }
0x25: {  	[simem:s6], [sflag:s4] =	dma.local [hbm:s3], $0xF7A  }
0x26: {  	[smem:$0x3F97] =	sst s1;
	(tag) =	ssettag s2;
	_ =	strace s9  }
0x27: {  	s1 =	sld [smem:$0x3FA7]  }
0x28: {  	s2 =	sld [smem:$0x3FA8]  }
0x29: {  	s4 =	sld [smem:$0x3FAA]  }
0x2a: {  	p0 =	seq.s32 s5, $0x0;
	s5 =	sld [smem:$0x3FAB]  }
0x2b: {  	s6 =	sld [smem:$0x3FAC]  }
0x2c: {  	s7 =	sld [smem:$0x3FAD]  }
0x2d: {  	s3 =	simm.s32 $0x108;
	s8 =	sld [smem:$0x3FAE]  }
0x2e: {  	s3 =	simm.s32 @!p0 $0x1082;
	s9 =	sld [smem:$0x3FAF]  }
0x2f: {  	lr =	sadd.s32 s0, s3;
	s0 =	sld [smem:$0x3FA6]  }
0x30: {  	s3 =	sld [smem:$0x3FA9]  }
0x31: {  	[smem:$0x3FB2] =	sst s10  }
0x32: {  	s10 =	sld [smem:$0x3FB0];
	_ =	sdelay $0x3  }
0x33: {  	p0 =	seq.s32 s10, $0x1;
	s10 =	sld [smem:$0x3FB2];
	_ =	sdelay $0x3  }
0x34: {  	[smem:$0x3FB2] =	sst s10  }
0x35: {  	s10 =	sld [smem:$0x3FB1];
	_ =	sdelay $0x3  }
0x36: {  	p1 =	seq.s32 s10, $0x1;
	s10 =	sld [smem:$0x3FB2];
	_ =	sdelay $0x3  }
0x37: {  	[smem:$0x3FB2] =	sst s10  }
0x38: {  	s10 =	sld [smem:$0x3FB3]  }
0x39: {  	_ = 	snop;
	(pc) =	sbr.ind lr, $3  }
0x3a: {  	_ = 	snop  }
0x3b: {  	_ = 	snop  }
0x3c: {  	p2 =	seq.s32 s10, $0x1;
	s10 =	sld [smem:$0x3FB2]  }
0x3d: {  	_ =	shalt  }
0x3e: {  	_ =	shalt  }
0x3f: {  	_ =	shalt  }
0x40: {  	_ =	shalt  }
0x41: {  	_ =	shalt  }
0x42: {  	_ =	shalt  }
0x43: {  	_ =	shalt  }
0x44: {  	_ =	shalt  }
0x45: {  	_ =	shalt  }
0x46: {  	_ =	shalt  }
0x47: {  	_ =	shalt  }
0x48: {  	_ =	shalt  }
0x49: {  	_ =	shalt  }
0x4a: {  	_ =	shalt  }
0x4b: {  	_ =	shalt  }
0x4c: {  	_ =	shalt  }
0x4d: {  	_ =	shalt  }
0x4e: {  	_ =	shalt  }
0x4f: {  	_ =	shalt  }
0x50: {  	_ =	shalt  }
0x51: {  	_ =	shalt  }
0x52: {  	_ =	shalt  }
0x53: {  	_ =	shalt  }
0x54: {  	_ =	shalt  }
0x55: {  	_ =	shalt  }
0x56: {  	_ =	shalt  }
0x57: {  	_ =	shalt  }
0x58: {  	_ =	shalt  }
0x59: {  	_ =	shalt  }
0x5a: {  	_ =	shalt  }
0x5b: {  	_ =	shalt  }
0x5c: {  	_ =	shalt  }
0x5d: {  	_ =	shalt  }
0x5e: {  	_ =	shalt  }
0x5f: {  	_ =	shalt  }
0x60: {  	_ =	shalt  }
0x61: {  	_ =	shalt  }
0x62: {  	_ =	shalt  }
0x63: {  	_ =	shalt  }
0x64: {  	_ =	shalt  }
0x65: {  	_ =	shalt  }
0x66: {  	_ =	shalt  }
0x67: {  	_ =	shalt  }
0x68: {  	_ =	shalt  }
0x69: {  	_ =	shalt  }
0x6a: {  	_ =	shalt  }
0x6b: {  	_ =	shalt  }
0x6c: {  	_ =	shalt  }
0x6d: {  	_ =	shalt  }
0x6e: {  	_ =	shalt  }
0x6f: {  	_ =	shalt  }
0x70: {  	_ =	shalt  }
0x71: {  	_ =	shalt  }
0x72: {  	_ =	shalt  }
0x73: {  	_ =	shalt  }
0x74: {  	_ =	shalt  }
0x75: {  	_ =	shalt  }
0x76: {  	_ =	shalt  }
0x77: {  	_ =	shalt  }
0x78: {  	_ =	shalt  }
0x79: {  	_ =	shalt  }
0x7a: {  	_ =	shalt  }
0x7b: {  	_ =	shalt  }
0x7c: {  	_ =	shalt  }
0x7d: {  	_ =	shalt  }
0x7e: {  	_ =	shalt  }
0x7f: {  	_ =	shalt  }
0x80: {  	_ =	shalt  }
0x81: {  	_ =	shalt  }
0x82: {  	_ =	shalt  }
0x83: {  	_ =	shalt  }
0x84: {  	_ =	shalt  }
0x85: {  	_ =	shalt  }
0x86: {  	_ =	shalt  }
0x87: {  	_ =	shalt  }
.Lfunc_end0:
.L_simem_size_0:
called_computation.3_lowered:
.L_overlay_start_0:
0x88: {  	s2 =	sld [smem:$0x3FD9]  }
0x89: {  	s3 =	sld [smem:$0x3FFE];
	_ =	sdelay $0x1  }
0x8a: {  	s1 =	srdreg.scid  }
0x8b: {  	s0 =	sand.u32 $0x1, s1  }
0x8c: {  	s16 =	sshll.u32 s0, $0xA;
	s2 =	sadd.s32 s3, s2  }
0x8d: {  	s2 =	sadd.s32 s2, s16  }
0x8e: {  	[smem:$0x3FBE] =	sst s2  }
0x8f: {  	_ = 	snop  }
0x90: {  	(tm) =	ssettm $0x1  }
0x91: {  	s17 =	sld [smem:$0x3FFB];
	_ =	sdelay $0x3  }
0x92: {  	_ =	strace s17  }
0x93: {  	s2 =	sld [smem:$0x3FFC];
	_ =	sdelay $0x3  }
0x94: {  	_ =	strace s2  }
0x95: {  	s2 =	sld [smem:$0x3FFD];
	_ =	sdelay $0x3  }
0x96: {  	_ =	strace s2  }
0x97: {  	_ =	strace $0x8FFFFFFF  }
0x98: {  	s18 =	sld [smem:$0x3FDB];
	_ =	sdelay $0x1  }
0x99: {  	s19 =	simm.s32 $_scs_section_size  }
0x9a: {  	s4 =	simm.s32 $_size__tile_overlayer_lowered;
	s5 =	simm.s32 $_tile_overlayer_lowered  }
0x9b: {  	s22 =	simm.s32 $0x1BFF;
	s21 =	sshll.u32 s5, $0x1;
	s2 =	sadd.s32 s19, s18  }
0x9c: {  	s6 =	simm.s32 $0x0;
	s20 =	sshll.u32 s4, $0x1;
	s4 =	sadd.s32 s21, s2  }
0x9d: {  	[timem:s6], [sflag:s22] =	dma.local [hbm:s4], s20  }
0x9e: {  	_ =	swait.ge [sflag:s22], s20  }
0x9f: {  	s3 =	ssub.s32 $0x0, s20;
	[sflag:s22] =	ssyncset.done $0x0  }
0xa0: {  	[sflag:s22] =	ssyncadd.s32 s3;
	_ =	sdelay $0x1  }
0xa1: {  	s23 =	simm.s32 $0x1B8B  }
0xa2: {  	_ =	swait.ge [sflag:s23], $0x1  }
0xa3: {  	[sflag:s23] =	ssyncset.done $0x0  }
0xa4: {  	s25 =	simm.s32 $0x1B8E;
	s24 =	sld [smem:$0x3FFE];
	[sflag:s23] =	ssyncadd.s32 $0xFFFFFFFF  }
0xa5: {  	s26 =	simm.s32 $execute0_lowered;
	[smem:$0x3FD2] =	sst s25  }
0xa6: {  	s4 =	sshll.u32 s26, $0x1;
	_ =	strace $0x8000004F;
	[dreg:$0x1] =	wrdreg $0xFFFFFFFF  }
0xa7: {  	s28 =	simm.s32 $_size_execute0_lowered;
	s2 =	sadd.s32 s2, s4;
	[dreg:$0x0] =	wrdreg $0x0  }
0xa8: {  	s4 =	sshll.u32 s28, $0x1;
	[dreg:$0x2] =	wrdreg s2  }
0xa9: {  	[dreg:$0x3] =	wrdreg s4  }
0xaa: {  	[dreg:$0x4] =	wrdreg $0xC0  }
0xab: {  	_ =	task [dreg:s6], $0x5FFFF  }
0xac: {  	[dreg:$0x1] =	wrdreg $0xFFFFFFFF  }
0xad: {  	[dreg:$0x0] =	wrdreg $0x60  }
0xae: {  	[dreg:$0x2] =	wrdreg s24  }
0xaf: {  	[dreg:$0x3] =	wrdreg $0xAE200  }
0xb0: {  	[dreg:$0x4] =	wrdreg $0x60000  }
0xb1: {  	[dreg:$0x5] =	wrdreg $0x9  }
0xb2: {  	_ =	task.clear_ibuf [dreg:s6], $0x6FFFF;
	_ =	strace $0x9000004F  }
0xb3: {  	s29 =	simm.s32 $0x9;
	_ =	strace $0x80000051  }
0xb4: {  	_ =	swait.ge [sflag:s29], $0x1  }
0xb5: {  	[sflag:s29] =	ssyncadd.s32 $0xFFFFFFFF  }
0xb6: {  	_ =	strace $0x90000051  }
0xb7: {  	_ =	sfence  }
0xb8: {  	s30 =	sld [smem:$0x0];
	_ =	sdelay $0x2  }
0xb9: {  	s31 =	sshll.u32 s1, $0xD;
	s1 =	sshrl.u32 s1, $0x2  }
0xba: {  	s3 =	sand.u32 $0x4000, s31;
	s1 =	sadd.s32 s1, s30  }
0xbb: {  	s0 =	sor.u32 s3, s0;
	s1 =	sshll.u32 s1, $0x11  }
0xbc: {  	s0 =	sor.u32 s1, s0  }
0xbd: {  	s0 =	sadd.s32 $0x8F2B, s0  }
0xbe: {  	[sflag:s0] =	ssyncadd.remote.s32 $0x1  }
0xbf: {  	_ =	sfence.sel $0xFFFF  }
0xc0: {  	[dreg:$0x0] =	wrdreg $0xFFFFFFFF;
	(pc) =	sbr.abs _section_cstart, $3  }
0xc1: {  	[dreg:$0x1] =	wrdreg $0xFFFFFFFF  }
0xc2: {  	_ =	task.clear_ibuf [dreg:s6], $0x2FFFF;
	_ =	strace $0x9FFFFFFF  }
0xc3: {  	(tm) =	ssettm $0x7FFFFFFF  }
tec
execute0_lowered:
.L_overlay_start_1:
0x0: {  	(tag) =	ssettag $0x1  }
0x1: {  	s5 =	rddreg [dreg:$0x0]  }
0x2: {  	s2 =	rddreg [dreg:$0x1]  }
0x3: {  	s3 =	rddreg [dreg:$0x2]  }
0x4: {  	s1 =	stileid.u32;
	s4 =	srdreg.scid  }
0x5: {  	s0 =	rddreg [dreg:$0x3];
	s15 =	simm.s32 $0x5000;
	s16 =	simm.s32 $0x1  }
0x6: {  	s19 =	simm.s32 $0x2800;
	s20 =	simm.s32 $0x80;
	s6 =	smul.u32 $0x4E20, s1  }
0x7: {  	s7 =	sand.u32 $0x1, s4;
	s4 =	simm.s32 $0x0;
	s10 =	smul.u32 $0x5000, s1  }
0x8: {  	s12 =	smul.u32 $0x14000, s1;
	s17 =	sshll.u32 s1, $0x6;
	s8 =	sshll.u32 s7, $0x4  }
0x9: {  	s9 =	smul.u32 $0x50000, s7;
	[smem:$0x7FF] =	sst s4;
	s7 =	ssub.s32 $0x2, s7  }
0xa: {  	s17 =	sor.u32 $0x1C01, s17;
	s8 =	sor.u32 s1, s8;
	_ =	strace $0x80000050  }
0xb: {  	s11 =	sshrl.u32 s6, $0x3;
	s31 =	sshrl.u32 s7, $0x1;
	s12 =	sshrl.u32 s12, $0x2  }
0xc: {  	s18 =	sadd.s32 s6, s3;
	s21 =	sadd.s32 s10, s2;
	s8 =	smul.u32 $0x500, s8  }
0xd: {  	s11 =	sadd.s32 s11, s5;
	s9 =	sadd.s32 s10, s9;
	s13 =	ssub.s32 s7, s31  }
0xe: {  	s18 =	sshrl.u32 s18, $0x3;
	s21 =	sshrl.u32 s21, $0x3;
	s9 =	sshrl.u32 s9, $0x3  }
0xf: {  	s6 =	sadd.s32 $0x16A00, s11;
	s10 =	smax.u32 s13, $0x1;
	s8 =	sadd.s32 s8, s5  }
0x10: {  	s9 =	sadd.s32 s9, s5;
	s5 =	sadd.s32 s12, s2;
	s7 =	sadd.s32 $0xCA00, s8  }
0x11: {  	s8 =	sadd.s32 $0x2A00, s8;
	s9 =	sadd.s32 $0x20800, s9;
	s11 =	sadd.s32 $0x1000, s5  }
0x12: {  	v0 =	vimm.f32 $0.0e+00;
	s12 =	sadd.s32 $0x2000, s5;
	s13 =	sadd.s32 $0x3000, s5;
	s14 =	sadd.s32 $0x4000, s5  }
.LBB2_1:
0x13: {  	s22 =	simm.s32 $0x80;
	s23 =	simm.s32 $0x0  }
.LBB2_2:
0x14: {  	p0 =	sne.s32 s22, $0x3F80;
	[tilespmem:s23+$0x5000] =	vst v0;
	s24 =	smov.u32 s22;
	s22 =	sadd.s32 $0x80, s22  }
.Ltmp0:
0x15: {  	[tilespmem:s23+$0x5010] =	vst v0;
	(pc) =	sbr.rel @p0 .LBB2_2-.Ltmp0, $2  }
0x16: {  	_ =	sdelay $0x2  }
0x17: {  	s23 =	sshra.s32 s24, $0x2  }
0x18: {  	[tilespmem:s23+$0x5000] =	vst v0  }
0x19: {  	[tilespmem:s23+$0x5010] =	vst v0  }
0x1a: {  	[spmem:s5] =	stream.linear.scatter [tilespmem:s15], [sflag:$0x1], $0x1000, $0x38;
	[tilespmem:$0xFE20] =	vst v63  }
0x1b: {  	_ =	swait.ge [sflag:s16], $0x1000  }
0x1c: {  	[sflag:s16] =	ssyncset.done $0x0  }
0x1d: {  	[sflag:s16] =	ssyncadd.s32 $0xFFFFF000  }
0x1e: {  	[spmem:s11] =	stream.linear.scatter [tilespmem:s15], [sflag:$0x1], $0x1000, $0x38;
	[tilespmem:$0xFE20] =	vst v63  }
0x1f: {  	_ =	swait.ge [sflag:s16], $0x1000  }
0x20: {  	[sflag:s16] =	ssyncset.done $0x0  }
0x21: {  	[sflag:s16] =	ssyncadd.s32 $0xFFFFF000  }
0x22: {  	[spmem:s12] =	stream.linear.scatter [tilespmem:s15], [sflag:$0x1], $0x1000, $0x38;
	[tilespmem:$0xFE20] =	vst v63  }
0x23: {  	_ =	swait.ge [sflag:s16], $0x1000  }
0x24: {  	[sflag:s16] =	ssyncset.done $0x0  }
0x25: {  	[sflag:s16] =	ssyncadd.s32 $0xFFFFF000  }
0x26: {  	[spmem:s13] =	stream.linear.scatter [tilespmem:s15], [sflag:$0x1], $0x1000, $0x38;
	[tilespmem:$0xFE20] =	vst v63  }
0x27: {  	_ =	swait.ge [sflag:s16], $0x1000  }
0x28: {  	[sflag:s16] =	ssyncset.done $0x0  }
0x29: {  	[sflag:s16] =	ssyncadd.s32 $0xFFFFF000  }
0x2a: {  	[spmem:s14] =	stream.linear.scatter [tilespmem:s15], [sflag:$0x1], $0x1000, $0x38;
	[tilespmem:$0xFE20] =	vst v63  }
0x2b: {  	_ =	swait.ge [sflag:s16], $0x1000  }
0x2c: {  	[sflag:s16] =	ssyncset.done $0x0  }
0x2d: {  	[sflag:s16] =	ssyncadd.s32 $0xFFFFF000  }
0x2e: {  	[spmem:s18], [sflag:s17] =	dma.local [hbm:s6], $0x9C4  }
0x2f: {  	_ =	swait.ge [sflag:s16], $0x9C4  }
0x30: {  	[sflag:s16] =	ssyncset.done $0x0  }
0x31: {  	[sflag:s16] =	ssyncadd.s32 $0xFFFFF63C  }
0x32: {  	s22 =	simm.s32 $0x0;
	[bflag:$0x0] =	sbarrier.arrive $0xFFFF  }
0x33: {  	[tilespmem:s22], [sflag:$0x1] =	stream.linear.gather [hbm4b:s7+s22], $0x2800, $0x38;
	[tilespmem:$0xFE20] =	vst v63  }
0x34: {  	_ =	swait.ge [sflag:s16], $0x2800  }
0x35: {  	[sflag:s16] =	ssyncset.done $0x0  }
0x36: {  	[sflag:s16] =	ssyncadd.s32 $0xFFFFD800  }
0x37: {  	[tilespmem:s19], [sflag:$0x1] =	stream.linear.gather [hbm4b:s8+s22], $0x2800, $0x38;
	[tilespmem:$0xFE20] =	vst v63  }
0x38: {  	_ =	swait.ge [sflag:s16], $0x2800  }
0x39: {  	[sflag:s16] =	ssyncset.done $0x0  }
0x3a: {  	s30 =	simm.s32 $0x0;
	[sflag:s16] =	ssyncadd.s32 $0xFFFFD800  }
0x3b: {  	[tilespmem:s15], [sflag:$0x1] =	stream.indirect.gather [spmem:s3], $0x20, s30, s20, $0xb8;
	[tilespmem:$0xFE20] =	vst v63  }
0x3c: {  	_ =	swait.ge [sflag:s16], $0x1000  }
0x3d: {  	[sflag:s16] =	ssyncset.done $0x0  }
0x3e: {  	s31 =	simm.s32 $0x2800;
	[sflag:s16] =	ssyncadd.s32 $0xFFFFF000  }
0x3f: {  	[spmem:s2] =	stream.indirect.scatter.add.f32 [tilespmem:s15], [sflag:$0x1], $0x20, s31, s20, $0xb8;
	[tilespmem:$0xFE20] =	vst v63  }
0x40: {  	_ =	swait.ge [sflag:s16], $0x1000  }
0x41: {  	s23 =	simm.s32 $0x400;
	s22 =	simm.s32 $0x200;
	[sflag:s16] =	ssyncset.done $0x0  }
.LBB2_4:
0x42: {  	s24 =	sshra.s32 s22, $0x2  }
0x43: {  	[sflag:s16] =	ssyncadd.s32 $0xFFFFF000;
	s22 =	smov.u32 s23;
	s25 =	sadd.s32 $0x200, s23  }
0x44: {  	[tilespmem:s15], [sflag:$0x1] =	stream.indirect.gather [spmem:s3], $0x20, s24, s20, $0xb8;
	[tilespmem:$0xFE20] =	vst v63  }
0x45: {  	p0 =	sne.s32 s23, $0x9E00;
	_ =	swait.ge [sflag:s16], $0x1000  }
.Ltmp1:
0x46: {  	[sflag:s16] =	ssyncset.done $0x0;
	(pc) =	sbr.rel @p0 .LBB2_4-.Ltmp1, $4  }
0x47: {  	s23 =	sadd.s32 $0x2800, s24;
	[sflag:s16] =	ssyncadd.s32 $0xFFFFF000  }
0x48: {  	[spmem:s2] =	stream.indirect.scatter.add.f32 [tilespmem:s15], [sflag:$0x1], $0x20, s23, s20, $0xb8;
	[tilespmem:$0xFE20] =	vst v63  }
0x49: {  	_ =	swait.ge [sflag:s16], $0x1000  }
0x4a: {  	s23 =	smov.u32 s25;
	[sflag:s16] =	ssyncset.done $0x0  }
0x4b: {  	s22 =	sshra.s32 s22, $0x2;
	[sflag:s16] =	ssyncadd.s32 $0xFFFFF000  }
0x4c: {  	[tilespmem:s15], [sflag:$0x1] =	stream.indirect.gather [spmem:s3], $0x20, s22, s20, $0xb8;
	[tilespmem:$0xFE20] =	vst v63  }
0x4d: {  	_ =	swait.ge [sflag:s16], $0x1000  }
0x4e: {  	[sflag:s16] =	ssyncset.done $0x0  }
0x4f: {  	s22 =	sadd.s32 $0x2800, s22;
	[sflag:s16] =	ssyncadd.s32 $0xFFFFF000  }
0x50: {  	[spmem:s2] =	stream.indirect.scatter.add.f32 [tilespmem:s15], [sflag:$0x1], $0x20, s22, s20, $0xb8;
	[tilespmem:$0xFE20] =	vst v63  }
0x51: {  	_ =	swait.ge [sflag:s16], $0x1000  }
0x52: {  	s4 =	sadd.s32 $0x1, s4;
	[sflag:s16] =	ssyncset.done $0x0  }
0x53: {  	p0 =	sne.s32 s4, s10;
	[sflag:s16] =	ssyncadd.s32 $0xFFFFF000  }
.Ltmp2:
0x54: {  	[bflag:$0x0] =	sbarrier.arrive $0xFFFF;
	(pc) =	sbr.rel @p0 .LBB2_1-.Ltmp2, $4  }
0x55: {  	[hbm:s9], [sflag:s17] =	dma.local [spmem:s21], $0xA00  }
0x56: {  	_ =	swait.ge [sflag:s16], $0xA00  }
0x57: {  	[sflag:s16] =	ssyncset.done $0x0  }
0x58: {  	[sflag:s16] =	ssyncadd.s32 $0xFFFFF600  }
0x59: {  	_ =	sfence.sel $0x180000  }
0x5a: {  	[bflag:$0x0] =	sbarrier.arrive $0xFFFF  }
0x5b: {  	p0 =	sne.s32 s1, $0x0;
	_ =	strace $0x90000050  }
0x5c: {  	s0 =	sadd.s32 @!p0 $0x100000, s0;
	[bflag:$0x2] =	sbarrier.arrive $0xFFFF  }
0x5d: {  	[sflag:s0] =	ssyncadd.tile.s32 @!p0 $0x1;
	_ =	shalt  }
.Lfunc_end2:
_tile_overlayer_lowered:
.L_overlay_start_2:
0x5e: {  	(tag) =	ssettag $0x2  }
0x5f: {  	s0 =	rddreg [dreg:$0x0];
	s2 =	stileid.u32  }
0x60: {  	s1 =	rddreg [dreg:$0x1];
	p0 =	sne.s32 s2, $0x0  }
0x61: {  	s3 =	rddreg [dreg:$0x2];
	[bflag:$0x3] =	sbarrier.arrive $0xFFFF;
	s2 =	simm.s32 @!p0 $0x1C01  }
0x62: {  	[timem:s3], [sflag:s2] =	dma.local @!p0 [hbm:s0], s1  }
0x63: {  	s0 =	simm.s32 @!p0 $0x1  }
0x64: {  	_ =	swait.ge @!p0 [sflag:s0], s1  }
0x65: {  	s1 =	ssub.s32 @!p0 $0x0, s1;
	[sflag:s0] =	ssyncset.done @!p0 $0x0  }
0x66: {  	[sflag:s0] =	ssyncadd.s32 @!p0 s1  }
0x67: {  	[bflag:$0x3] =	sbarrier.arrive $0xFFFF  }
0x68: {  	_ =	shalt  }

</sc_bundles>
